<compile_context>
chip_gen: v7x
topology: tpu7x:2x2x1
jax: 0.10.2.dev20260603
libtpu: 0.0.44.dev20260713+nightly
codegen_flags: <defaults>
</compile_context>

<pallas_src>
import functools

import jax
import jax.numpy as jnp
from jax import lax
from jax.experimental import pallas as pl
from jax.experimental.pallas import tpu as pltpu
from jax.experimental.pallas import tpu_sc as plsc

D_MODEL = 64
SCALE = 8.0

NC = 2
NS = 16
L = 16
NW = NC * NS


@functools.cache
def _build(B0, B1):
    bw = B0 // NW
    assert bw == 128 and B1 == 200
    mesh = plsc.VectorSubcoreMesh(core_axis_name="c", subcore_axis_name="s")

    @functools.partial(
        pl.kernel,
        out_type=jax.ShapeDtypeStruct((B0 * B1, D_MODEL), jnp.float32),
        mesh=mesh,
        compiler_params=pltpu.CompilerParams(
            use_tc_tiling_on_sc=False, needs_layout_passes=False),
        scratch_types=[
            pltpu.VMEM((B1, bw), jnp.int32),
            pltpu.VMEM((bw, B1), jnp.int32),
            pltpu.VMEM((B1, D_MODEL), jnp.float32),
            pltpu.VMEM((B1, D_MODEL), jnp.float32),
            pltpu.SemaphoreType.DMA,
            pltpu.SemaphoreType.DMA,
            pltpu.SemaphoreType.DMA,
            pltpu.SemaphoreType.DMA,
        ],
    )
    def emb_kernel(xt_hbm, table_hbm, out_hbm, xst_v, idx_v,
                   rows0, rows1, sem_g0, sem_g1, sem_s0, sem_s1):
        wid = lax.axis_index("s") * NC + lax.axis_index("c")
        col0 = pl.multiple_of(wid * bw, bw)
        rows = (rows0, rows1)
        sem_g = (sem_g0, sem_g1)
        sem_s = (sem_s0, sem_s1)

        pltpu.sync_copy(xt_hbm.at[:, pl.ds(col0, bw)], xst_v)

        lane = jax.lax.iota(jnp.int32, L)

        @plsc.parallel_loop(0, B1)
        def transpose_idx(b1):
            bsplat = jnp.full((L,), b1, jnp.int32)
            for k in range(bw // L):
                v = xst_v[b1, pl.ds(k * L, L)]
                plsc.store_scatter(idx_v, [k * L + lane, bsplat], v)

        def gather(j, b):
            return (
                pltpu.make_async_copy(
                    table_hbm.at[idx_v.at[j, pl.ds(0, 128)]],
                    rows[b].at[pl.ds(0, 128)], sem_g[b]),
                pltpu.make_async_copy(
                    table_hbm.at[idx_v.at[j, pl.ds(128, B1 - 128)]],
                    rows[b].at[pl.ds(128, B1 - 128)], sem_g[b]),
            )

        def store(j, b):
            return pltpu.make_async_copy(
                rows[b], out_hbm.at[pl.ds((col0 + j) * B1, B1)], sem_s[b])

        for c in gather(0, 0):
            c.start()

        @pl.loop(0, bw, step=2)
        def line(g):
            for tb in range(2):
                j = g + tb
                other = 1 - tb

                @pl.when(j + 1 < bw)
                def _fire_next_gather():
                    for c in gather(j + 1, other):
                        c.start()

                for c in gather(j, tb):
                    c.wait()

                @pl.when(j >= 2)
                def _wait_prev_store():
                    store(j - 2, tb).wait()

                @plsc.parallel_loop(0, B1, unroll=4)
                def scale_row(r):
                    for c in range(D_MODEL // L):
                        v = rows[tb][r, pl.ds(c * L, L)]
                        rows[tb][r, pl.ds(c * L, L)] = v * SCALE

                store(j, tb).start()

        store(bw - 2, 0).wait()
        store(bw - 1, 1).wait()

    return emb_kernel


def kernel(x, table):
    B0, B1 = x.shape
    out = _build(B0, B1)(x.T, table)
    return out.reshape(B0, B1, D_MODEL)

# --- scband reference (transcript-rebuilt; emitter-appended) ---
"""Pipeline reference for scband-input-embeddings-31696858644929 (READ-ONLY COPY).

The authoritative reference and input builder live on the scoring server;
editing this copy changes nothing except your own understanding.
"""

import jax, jax.numpy as jnp
import numpy as np

VOCAB = 1000000
D_MODEL = 64

def setup_inputs(seed: int = 0) -> dict:
    key = jax.random.key(seed)
    k1, k2 = jax.random.split(key)
    x = jax.random.randint(k1, (4096, 200), 0, VOCAB, dtype=jnp.int64 if jax.config.jax_enable_x64 else jnp.int32)
    table = jax.random.normal(k2, (VOCAB, D_MODEL), dtype=jnp.float32)
    return {"x": x, "table": table}

def reference(x, table):
    # nn.Embedding lookup followed by scaling by sqrt(embedding_dim)
    emb = jnp.take(table, x, axis=0)
    return emb * (D_MODEL ** 0.5)

if __name__ == "__main__":
    import jax
    _d = setup_inputs()
    print(jax.jit(kernel)(*tuple(_d.values())))

</pallas_src>

<mosaic_0001>
#map = affine_map<(d0, d1) -> (0, 0)>
module attributes {stable_mosaic.version = 14 : i64} {
  func.func @emb_kernel(%arg0: i32, %arg1: i32, %arg2: memref<200x4096xi32, #tpu.memory_space<hbm>>, %arg3: memref<1000000x64xf32, #tpu.memory_space<hbm>>, %arg4: memref<819200x64xf32, #tpu.memory_space<hbm>>, %arg5: memref<200x128xi32, #tpu.memory_space<vmem>>, %arg6: memref<128x200xi32, #tpu.memory_space<vmem>>, %arg7: memref<200x64xf32, #tpu.memory_space<vmem>>, %arg8: memref<200x64xf32, #tpu.memory_space<vmem>>, %arg9: memref<!tpu.dma_semaphore, #tpu.memory_space<semaphore_mem>>, %arg10: memref<!tpu.dma_semaphore, #tpu.memory_space<semaphore_mem>>, %arg11: memref<!tpu.dma_semaphore, #tpu.memory_space<semaphore_mem>>, %arg12: memref<!tpu.dma_semaphore, #tpu.memory_space<semaphore_mem>>) attributes {dimension_semantics = [#tpu.dimension_semantics<core_parallel>, #tpu.dimension_semantics<subcore_parallel>], iteration_bounds = array<i64: 2, 16>, scalar_prefetch = 0 : i64, scratch_operands = 8 : i64, tpu.core_type = #tpu.core_type<sc_vector_subcore>, window_params = [{transform_indices = #map}, {transform_indices = #map}, {transform_indices = #map}]} {
    %mul3A = arith.constant 2 : i32
    %mul3A_0 = arith.muli %arg1, %mul3A : i32
    %add3A = arith.addi %mul3A_0, %arg0 : i32
    %mul3A_1 = arith.constant 128 : i32
    %mul3A_2 = arith.muli %add3A, %mul3A_1 : i32
    %multiple_of3A = tpu.assume_multiple %mul3A_2, 128 : i32
    "tpu.region"() ({
      %run_scoped3A = tpu.sem_alloc : memref<!tpu.dma_semaphore, #tpu.memory_space<semaphore_mem>>
      %dma_start3A_43 = arith.constant 0 : i32
      %dma_start3A_44 = tpu.memref_slice %arg2[%dma_start3A_43, %multiple_of3A] : memref<200x4096xi32, #tpu.memory_space<hbm>> -> memref<200x128xi32, #tpu.memory_space<hbm>>
      %dma_start3A_45 = arith.constant 0 : i32
      %dma_start3A_46 = tpu.memref_slice %arg2[%dma_start3A_45, %multiple_of3A] : memref<200x4096xi32, #tpu.memory_space<hbm>> -> memref<200x128xi32, #tpu.memory_space<hbm>>
      tpu.enqueue_dma source(%dma_start3A_46 : memref<200x128xi32, #tpu.memory_space<hbm>>) target(%arg5 : memref<200x128xi32, #tpu.memory_space<vmem>>) target_semaphore(%run_scoped3A : memref<!tpu.dma_semaphore, #tpu.memory_space<semaphore_mem>>)
      %dma_wait3A_47 = arith.constant 0 : i32
      %dma_wait3A_48 = tpu.memref_slice %arg2[%dma_wait3A_47, %multiple_of3A] : memref<200x4096xi32, #tpu.memory_space<hbm>> -> memref<200x128xi32, #tpu.memory_space<hbm>>
      %dma_wait3A_49 = arith.constant 0 : i32
      %dma_wait3A_50 = tpu.memref_slice %arg2[%dma_wait3A_49, %multiple_of3A] : memref<200x4096xi32, #tpu.memory_space<hbm>> -> memref<200x128xi32, #tpu.memory_space<hbm>>
      tpu.wait_dma2 semaphore(%run_scoped3A : memref<!tpu.dma_semaphore, #tpu.memory_space<semaphore_mem>>) src(%dma_wait3A_50 : memref<200x128xi32, #tpu.memory_space<hbm>>) dst(%arg5 : memref<200x128xi32, #tpu.memory_space<vmem>>)
      tpu.yield
    }) : () -> ()
    %iota3A = tpu.iota {dimensions = array<i32: 0>} : vector<16xi32>
    %parallel_loop3A = arith.constant 0 : i32
    %parallel_loop3A_3 = arith.constant 200 : i32
    %parallel_loop3A_4 = arith.constant 1 : i32
    scf.for %parallel_loop3A_43 = %parallel_loop3A to %parallel_loop3A_3 step %parallel_loop3A_4  : i32 {
      %parallel_loop3A_44 = vector.broadcast %parallel_loop3A_43 : i32 to vector<16xi32>
      %parallel_loop3A_45 = arith.index_cast %parallel_loop3A_43 : i32 to index
      %parallel_loop3A_46 = arith.constant 0 : index
      %parallel_loop3A_47 = tpu.vector_load %arg5[%parallel_loop3A_45, %parallel_loop3A_46] {strides = array<i32>} : memref<200x128xi32, #tpu.memory_space<vmem>>, vector<16xi32>,
      %parallel_loop3A_48 = arith.constant 0 : i32
      %parallel_loop3A_49 = vector.broadcast %parallel_loop3A_48 : i32 to vector<16xi32>
      %parallel_loop3A_50 = arith.addi %parallel_loop3A_49, %iota3A : vector<16xi32>
      tpu.vector_store_idx %arg6[%parallel_loop3A_50, %parallel_loop3A_44], %parallel_loop3A_47 : memref<128x200xi32, #tpu.memory_space<vmem>>[vector<16xi32>, vector<16xi32>], vector<16xi32>,
      %parallel_loop3A_51 = arith.index_cast %parallel_loop3A_43 : i32 to index
      %parallel_loop3A_52 = arith.constant 16 : index
      %parallel_loop3A_53 = tpu.vector_load %arg5[%parallel_loop3A_51, %parallel_loop3A_52] {strides = array<i32>} : memref<200x128xi32, #tpu.memory_space<vmem>>, vector<16xi32>,
      %parallel_loop3A_54 = arith.constant 16 : i32
      %parallel_loop3A_55 = vector.broadcast %parallel_loop3A_54 : i32 to vector<16xi32>
      %parallel_loop3A_56 = arith.addi %parallel_loop3A_55, %iota3A : vector<16xi32>
      tpu.vector_store_idx %arg6[%parallel_loop3A_56, %parallel_loop3A_44], %parallel_loop3A_53 : memref<128x200xi32, #tpu.memory_space<vmem>>[vector<16xi32>, vector<16xi32>], vector<16xi32>,
      %parallel_loop3A_57 = arith.index_cast %parallel_loop3A_43 : i32 to index
      %parallel_loop3A_58 = arith.constant 32 : index
      %parallel_loop3A_59 = tpu.vector_load %arg5[%parallel_loop3A_57, %parallel_loop3A_58] {strides = array<i32>} : memref<200x128xi32, #tpu.memory_space<vmem>>, vector<16xi32>,
      %parallel_loop3A_60 = arith.constant 32 : i32
      %parallel_loop3A_61 = vector.broadcast %parallel_loop3A_60 : i32 to vector<16xi32>
      %parallel_loop3A_62 = arith.addi %parallel_loop3A_61, %iota3A : vector<16xi32>
      tpu.vector_store_idx %arg6[%parallel_loop3A_62, %parallel_loop3A_44], %parallel_loop3A_59 : memref<128x200xi32, #tpu.memory_space<vmem>>[vector<16xi32>, vector<16xi32>], vector<16xi32>,
      %parallel_loop3A_63 = arith.index_cast %parallel_loop3A_43 : i32 to index
      %parallel_loop3A_64 = arith.constant 48 : index
      %parallel_loop3A_65 = tpu.vector_load %arg5[%parallel_loop3A_63, %parallel_loop3A_64] {strides = array<i32>} : memref<200x128xi32, #tpu.memory_space<vmem>>, vector<16xi32>,
      %parallel_loop3A_66 = arith.constant 48 : i32
      %parallel_loop3A_67 = vector.broadcast %parallel_loop3A_66 : i32 to vector<16xi32>
      %parallel_loop3A_68 = arith.addi %parallel_loop3A_67, %iota3A : vector<16xi32>
      tpu.vector_store_idx %arg6[%parallel_loop3A_68, %parallel_loop3A_44], %parallel_loop3A_65 : memref<128x200xi32, #tpu.memory_space<vmem>>[vector<16xi32>, vector<16xi32>], vector<16xi32>,
      %parallel_loop3A_69 = arith.index_cast %parallel_loop3A_43 : i32 to index
      %parallel_loop3A_70 = arith.constant 64 : index
      %parallel_loop3A_71 = tpu.vector_load %arg5[%parallel_loop3A_69, %parallel_loop3A_70] {strides = array<i32>} : memref<200x128xi32, #tpu.memory_space<vmem>>, vector<16xi32>,
      %parallel_loop3A_72 = arith.constant 64 : i32
      %parallel_loop3A_73 = vector.broadcast %parallel_loop3A_72 : i32 to vector<16xi32>
      %parallel_loop3A_74 = arith.addi %parallel_loop3A_73, %iota3A : vector<16xi32>
      tpu.vector_store_idx %arg6[%parallel_loop3A_74, %parallel_loop3A_44], %parallel_loop3A_71 : memref<128x200xi32, #tpu.memory_space<vmem>>[vector<16xi32>, vector<16xi32>], vector<16xi32>,
      %parallel_loop3A_75 = arith.index_cast %parallel_loop3A_43 : i32 to index
      %parallel_loop3A_76 = arith.constant 80 : index
      %parallel_loop3A_77 = tpu.vector_load %arg5[%parallel_loop3A_75, %parallel_loop3A_76] {strides = array<i32>} : memref<200x128xi32, #tpu.memory_space<vmem>>, vector<16xi32>,
      %parallel_loop3A_78 = arith.constant 80 : i32
      %parallel_loop3A_79 = vector.broadcast %parallel_loop3A_78 : i32 to vector<16xi32>
      %parallel_loop3A_80 = arith.addi %parallel_loop3A_79, %iota3A : vector<16xi32>
      tpu.vector_store_idx %arg6[%parallel_loop3A_80, %parallel_loop3A_44], %parallel_loop3A_77 : memref<128x200xi32, #tpu.memory_space<vmem>>[vector<16xi32>, vector<16xi32>], vector<16xi32>,
      %parallel_loop3A_81 = arith.index_cast %parallel_loop3A_43 : i32 to index
      %parallel_loop3A_82 = arith.constant 96 : index
      %parallel_loop3A_83 = tpu.vector_load %arg5[%parallel_loop3A_81, %parallel_loop3A_82] {strides = array<i32>} : memref<200x128xi32, #tpu.memory_space<vmem>>, vector<16xi32>,
      %parallel_loop3A_84 = arith.constant 96 : i32
      %parallel_loop3A_85 = vector.broadcast %parallel_loop3A_84 : i32 to vector<16xi32>
      %parallel_loop3A_86 = arith.addi %parallel_loop3A_85, %iota3A : vector<16xi32>
      tpu.vector_store_idx %arg6[%parallel_loop3A_86, %parallel_loop3A_44], %parallel_loop3A_83 : memref<128x200xi32, #tpu.memory_space<vmem>>[vector<16xi32>, vector<16xi32>], vector<16xi32>,
      %parallel_loop3A_87 = arith.index_cast %parallel_loop3A_43 : i32 to index
      %parallel_loop3A_88 = arith.constant 112 : index
      %parallel_loop3A_89 = tpu.vector_load %arg5[%parallel_loop3A_87, %parallel_loop3A_88] {strides = array<i32>} : memref<200x128xi32, #tpu.memory_space<vmem>>, vector<16xi32>,
      %parallel_loop3A_90 = arith.constant 112 : i32
      %parallel_loop3A_91 = vector.broadcast %parallel_loop3A_90 : i32 to vector<16xi32>
      %parallel_loop3A_92 = arith.addi %parallel_loop3A_91, %iota3A : vector<16xi32>
      tpu.vector_store_idx %arg6[%parallel_loop3A_92, %parallel_loop3A_44], %parallel_loop3A_89 : memref<128x200xi32, #tpu.memory_space<vmem>>[vector<16xi32>, vector<16xi32>], vector<16xi32>,
    } {sc.loop_unroll_factor = 1 : i64, sc.parallel_access}
    %dma_start3A = arith.constant 0 : i32
    %dma_start3A_5 = arith.constant 0 : i32
    %dma_start3A_6 = arith.constant 0 : i32
    %dma_start3A_7 = tpu.memref_slice %arg7[%dma_start3A_5, %dma_start3A_6] : memref<200x64xf32, #tpu.memory_space<vmem>> -> memref<128x64xf32, #tpu.memory_space<vmem>>
    %dma_start3A_8 = arith.constant 0 : i32
    %dma_start3A_9 = tpu.memref_slice %arg6[%dma_start3A, %dma_start3A_8] : memref<128x200xi32, #tpu.memory_space<vmem>> -> memref<1x128xi32, #tpu.memory_space<vmem>>
    %dma_start3A_10 = tpu.memref_squeeze %dma_start3A_9 : memref<1x128xi32, #tpu.memory_space<vmem>> -> memref<128xi32, #tpu.memory_space<vmem>>
    %dma_start3A_11 = arith.constant 0 : i32
    %dma_start3A_12 = arith.constant 0 : i32
    %dma_start3A_13 = tpu.memref_slice %arg3[%dma_start3A_11, %dma_start3A_12] : memref<1000000x64xf32, #tpu.memory_space<hbm>> -> memref<1000000x64xf32, #tpu.memory_space<hbm>>
    tpu.enqueue_indirect_dma source(%dma_start3A_13 : memref<1000000x64xf32, #tpu.memory_space<hbm>>) target(%dma_start3A_7 : memref<128x64xf32, #tpu.memory_space<vmem>>) offsets(%dma_start3A_10 : memref<128xi32, #tpu.memory_space<vmem>>) semaphore(%arg9 : memref<!tpu.dma_semaphore, #tpu.memory_space<semaphore_mem>>)
    %dma_start3A_14 = arith.constant 0 : i32
    %dma_start3A_15 = arith.constant 128 : i32
    %dma_start3A_16 = arith.constant 0 : i32
    %dma_start3A_17 = tpu.memref_slice %arg7[%dma_start3A_15, %dma_start3A_16] : memref<200x64xf32, #tpu.memory_space<vmem>> -> memref<72x64xf32, #tpu.memory_space<vmem>>
    %dma_start3A_18 = arith.constant 128 : i32
    %dma_start3A_19 = tpu.memref_slice %arg6[%dma_start3A_14, %dma_start3A_18] : memref<128x200xi32, #tpu.memory_space<vmem>> -> memref<1x72xi32, #tpu.memory_space<vmem>>
    %dma_start3A_20 = tpu.memref_squeeze %dma_start3A_19 : memref<1x72xi32, #tpu.memory_space<vmem>> -> memref<72xi32, #tpu.memory_space<vmem>>
    %dma_start3A_21 = arith.constant 0 : i32
    %dma_start3A_22 = arith.constant 0 : i32
    %dma_start3A_23 = tpu.memref_slice %arg3[%dma_start3A_21, %dma_start3A_22] : memref<1000000x64xf32, #tpu.memory_space<hbm>> -> memref<1000000x64xf32, #tpu.memory_space<hbm>>
    tpu.enqueue_indirect_dma source(%dma_start3A_23 : memref<1000000x64xf32, #tpu.memory_space<hbm>>) target(%dma_start3A_17 : memref<72x64xf32, #tpu.memory_space<vmem>>) offsets(%dma_start3A_20 : memref<72xi32, #tpu.memory_space<vmem>>) semaphore(%arg9 : memref<!tpu.dma_semaphore, #tpu.memory_space<semaphore_mem>>)
    %scan3A = arith.constant 0 : i32
    %scan3A_24 = arith.constant 64 : i32
    %scan3A_25 = arith.addi %scan3A, %scan3A_24 : i32
    %scan3A_26 = arith.constant 1 : i32
    scf.for %scan3A_43 = %scan3A to %scan3A_25 step %scan3A_26  : i32 {
      %mul3A_44 = arith.constant 2 : i32
      %mul3A_45 = arith.muli %scan3A_43, %mul3A_44 : i32
      %add3A_46 = arith.constant 0 : i32
      %add3A_47 = arith.addi %add3A_46, %mul3A_45 : i32
      %add3A_48 = arith.constant 0 : i32
      %add3A_49 = arith.addi %add3A_47, %add3A_48 : i32
      %add3A_50 = arith.constant 1 : i32
      %add3A_51 = arith.addi %add3A_49, %add3A_50 : i32
      %lt3A = arith.constant 128 : i32
      %lt3A_52 = arith.cmpi slt, %add3A_51, %lt3A : i32
      %convert_element_type3A = arith.extui %lt3A_52 : i1 to i32
      %cond3A = arith.constant 0 : i32
      %cond3A_53 = arith.cmpi ne, %convert_element_type3A, %cond3A : i32
      scf.if %cond3A_53 {
        %add3A_128 = arith.constant 1 : i32
        %add3A_129 = arith.addi %add3A_49, %add3A_128 : i32
        %dma_start3A_130 = arith.constant 0 : i32
        %dma_start3A_131 = arith.constant 0 : i32
        %dma_start3A_132 = tpu.memref_slice %arg8[%dma_start3A_130, %dma_start3A_131] : memref<200x64xf32, #tpu.memory_space<vmem>> -> memref<128x64xf32, #tpu.memory_space<vmem>>
        %dma_start3A_133 = arith.constant 0 : i32
        %dma_start3A_134 = tpu.memref_slice %arg6[%add3A_129, %dma_start3A_133] : memref<128x200xi32, #tpu.memory_space<vmem>> -> memref<1x128xi32, #tpu.memory_space<vmem>>
        %dma_start3A_135 = tpu.memref_squeeze %dma_start3A_134 : memref<1x128xi32, #tpu.memory_space<vmem>> -> memref<128xi32, #tpu.memory_space<vmem>>
        %dma_start3A_136 = arith.constant 0 : i32
        %dma_start3A_137 = arith.constant 0 : i32
        %dma_start3A_138 = tpu.memref_slice %arg3[%dma_start3A_136, %dma_start3A_137] : memref<1000000x64xf32, #tpu.memory_space<hbm>> -> memref<1000000x64xf32, #tpu.memory_space<hbm>>
        tpu.enqueue_indirect_dma source(%dma_start3A_138 : memref<1000000x64xf32, #tpu.memory_space<hbm>>) target(%dma_start3A_132 : memref<128x64xf32, #tpu.memory_space<vmem>>) offsets(%dma_start3A_135 : memref<128xi32, #tpu.memory_space<vmem>>) semaphore(%arg10 : memref<!tpu.dma_semaphore, #tpu.memory_space<semaphore_mem>>)
        %dma_start3A_139 = arith.constant 128 : i32
        %dma_start3A_140 = arith.constant 0 : i32
        %dma_start3A_141 = tpu.memref_slice %arg8[%dma_start3A_139, %dma_start3A_140] : memref<200x64xf32, #tpu.memory_space<vmem>> -> memref<72x64xf32, #tpu.memory_space<vmem>>
        %dma_start3A_142 = arith.constant 128 : i32
        %dma_start3A_143 = tpu.memref_slice %arg6[%add3A_129, %dma_start3A_142] : memref<128x200xi32, #tpu.memory_space<vmem>> -> memref<1x72xi32, #tpu.memory_space<vmem>>
        %dma_start3A_144 = tpu.memref_squeeze %dma_start3A_143 : memref<1x72xi32, #tpu.memory_space<vmem>> -> memref<72xi32, #tpu.memory_space<vmem>>
        %dma_start3A_145 = arith.constant 0 : i32
        %dma_start3A_146 = arith.constant 0 : i32
        %dma_start3A_147 = tpu.memref_slice %arg3[%dma_start3A_145, %dma_start3A_146] : memref<1000000x64xf32, #tpu.memory_space<hbm>> -> memref<1000000x64xf32, #tpu.memory_space<hbm>>
        tpu.enqueue_indirect_dma source(%dma_start3A_147 : memref<1000000x64xf32, #tpu.memory_space<hbm>>) target(%dma_start3A_141 : memref<72x64xf32, #tpu.memory_space<vmem>>) offsets(%dma_start3A_144 : memref<72xi32, #tpu.memory_space<vmem>>) semaphore(%arg10 : memref<!tpu.dma_semaphore, #tpu.memory_space<semaphore_mem>>)
      } else {
      }
      %dma_wait3A_54 = arith.constant 0 : i32
      %dma_wait3A_55 = arith.constant 0 : i32
      %dma_wait3A_56 = tpu.memref_slice %arg7[%dma_wait3A_54, %dma_wait3A_55] : memref<200x64xf32, #tpu.memory_space<vmem>> -> memref<128x64xf32, #tpu.memory_space<vmem>>
      %dma_wait3A_57 = arith.constant 0 : i32
      %dma_wait3A_58 = tpu.memref_slice %arg6[%add3A_49, %dma_wait3A_57] : memref<128x200xi32, #tpu.memory_space<vmem>> -> memref<1x128xi32, #tpu.memory_space<vmem>>
      %dma_wait3A_59 = tpu.memref_squeeze %dma_wait3A_58 : memref<1x128xi32, #tpu.memory_space<vmem>> -> memref<128xi32, #tpu.memory_space<vmem>>
      %dma_wait3A_60 = arith.constant 0 : i32
      %dma_wait3A_61 = arith.constant 0 : i32
      %dma_wait3A_62 = tpu.memref_slice %arg3[%dma_wait3A_60, %dma_wait3A_61] : memref<1000000x64xf32, #tpu.memory_space<hbm>> -> memref<1000000x64xf32, #tpu.memory_space<hbm>>
      tpu.wait_indirect_dma semaphore(%arg9 : memref<!tpu.dma_semaphore, #tpu.memory_space<semaphore_mem>>) src(%dma_wait3A_62 : memref<1000000x64xf32, #tpu.memory_space<hbm>>) dst(%dma_wait3A_56 : memref<128x64xf32, #tpu.memory_space<vmem>>)
      %dma_wait3A_63 = arith.constant 128 : i32
      %dma_wait3A_64 = arith.constant 0 : i32
      %dma_wait3A_65 = tpu.memref_slice %arg7[%dma_wait3A_63, %dma_wait3A_64] : memref<200x64xf32, #tpu.memory_space<vmem>> -> memref<72x64xf32, #tpu.memory_space<vmem>>
      %dma_wait3A_66 = arith.constant 128 : i32
      %dma_wait3A_67 = tpu.memref_slice %arg6[%add3A_49, %dma_wait3A_66] : memref<128x200xi32, #tpu.memory_space<vmem>> -> memref<1x72xi32, #tpu.memory_space<vmem>>
      %dma_wait3A_68 = tpu.memref_squeeze %dma_wait3A_67 : memref<1x72xi32, #tpu.memory_space<vmem>> -> memref<72xi32, #tpu.memory_space<vmem>>
      %dma_wait3A_69 = arith.constant 0 : i32
      %dma_wait3A_70 = arith.constant 0 : i32
      %dma_wait3A_71 = tpu.memref_slice %arg3[%dma_wait3A_69, %dma_wait3A_70] : memref<1000000x64xf32, #tpu.memory_space<hbm>> -> memref<1000000x64xf32, #tpu.memory_space<hbm>>
      tpu.wait_indirect_dma semaphore(%arg9 : memref<!tpu.dma_semaphore, #tpu.memory_space<semaphore_mem>>) src(%dma_wait3A_71 : memref<1000000x64xf32, #tpu.memory_space<hbm>>) dst(%dma_wait3A_65 : memref<72x64xf32, #tpu.memory_space<vmem>>)
      %ge3A = arith.constant 2 : i32
      %ge3A_72 = arith.cmpi sge, %add3A_49, %ge3A : i32
      %convert_element_type3A_73 = arith.extui %ge3A_72 : i1 to i32
      %cond3A_74 = arith.constant 0 : i32
      %cond3A_75 = arith.cmpi ne, %convert_element_type3A_73, %cond3A_74 : i32
      scf.if %cond3A_75 {
        %sub3A = arith.constant 2 : i32
        %sub3A_128 = arith.subi %add3A_49, %sub3A : i32
        %add3A_129 = arith.addi %multiple_of3A, %sub3A_128 : i32
        %mul3A_130 = arith.constant 200 : i32
        %mul3A_131 = arith.muli %add3A_129, %mul3A_130 : i32
        %dma_wait3A_132 = arith.constant 0 : i32
        %dma_wait3A_133 = tpu.memref_slice %arg4[%mul3A_131, %dma_wait3A_132] : memref<819200x64xf32, #tpu.memory_space<hbm>> -> memref<200x64xf32, #tpu.memory_space<hbm>>
        %dma_wait3A_134 = arith.constant 0 : i32
        %dma_wait3A_135 = tpu.memref_slice %arg4[%mul3A_131, %dma_wait3A_134] : memref<819200x64xf32, #tpu.memory_space<hbm>> -> memref<200x64xf32, #tpu.memory_space<hbm>>
        tpu.wait_dma2 semaphore(%arg11 : memref<!tpu.dma_semaphore, #tpu.memory_space<semaphore_mem>>) src(%arg7 : memref<200x64xf32, #tpu.memory_space<vmem>>) dst(%dma_wait3A_135 : memref<200x64xf32, #tpu.memory_space<hbm>>)
      } else {
      }
      %parallel_loop3A_76 = arith.constant 0 : i32
      %parallel_loop3A_77 = arith.constant 200 : i32
      %parallel_loop3A_78 = arith.constant 1 : i32
      scf.for %parallel_loop3A_128 = %parallel_loop3A_76 to %parallel_loop3A_77 step %parallel_loop3A_78  : i32 {
        %parallel_loop3A_129 = arith.index_cast %parallel_loop3A_128 : i32 to index
        %parallel_loop3A_130 = arith.constant 0 : index
        %parallel_loop3A_131 = tpu.vector_load %arg7[%parallel_loop3A_129, %parallel_loop3A_130] {strides = array<i32>} : memref<200x64xf32, #tpu.memory_space<vmem>>, vector<16xf32>,
        %parallel_loop3A_132 = arith.constant 8.000000e+00 : f32
        %parallel_loop3A_133 = vector.broadcast %parallel_loop3A_132 : f32 to vector<16xf32>
        %parallel_loop3A_134 = arith.mulf %parallel_loop3A_131, %parallel_loop3A_133 : vector<16xf32>
        %parallel_loop3A_135 = arith.index_cast %parallel_loop3A_128 : i32 to index
        %parallel_loop3A_136 = arith.constant 0 : index
        %parallel_loop3A_137 = tpu.vector_load %arg7[%parallel_loop3A_135, %parallel_loop3A_136] {strides = array<i32>} : memref<200x64xf32, #tpu.memory_space<vmem>>, vector<16xf32>,
        tpu.vector_store %arg7[%parallel_loop3A_135, %parallel_loop3A_136], %parallel_loop3A_134 {strides = array<i32>} : memref<200x64xf32, #tpu.memory_space<vmem>>, vector<16xf32>,
        %parallel_loop3A_138 = arith.index_cast %parallel_loop3A_128 : i32 to index
        %parallel_loop3A_139 = arith.constant 16 : index
        %parallel_loop3A_140 = tpu.vector_load %arg7[%parallel_loop3A_138, %parallel_loop3A_139] {strides = array<i32>} : memref<200x64xf32, #tpu.memory_space<vmem>>, vector<16xf32>,
        %parallel_loop3A_141 = arith.constant 8.000000e+00 : f32
        %parallel_loop3A_142 = vector.broadcast %parallel_loop3A_141 : f32 to vector<16xf32>
        %parallel_loop3A_143 = arith.mulf %parallel_loop3A_140, %parallel_loop3A_142 : vector<16xf32>
        %parallel_loop3A_144 = arith.index_cast %parallel_loop3A_128 : i32 to index
        %parallel_loop3A_145 = arith.constant 16 : index
        %parallel_loop3A_146 = tpu.vector_load %arg7[%parallel_loop3A_144, %parallel_loop3A_145] {strides = array<i32>} : memref<200x64xf32, #tpu.memory_space<vmem>>, vector<16xf32>,
        tpu.vector_store %arg7[%parallel_loop3A_144, %parallel_loop3A_145], %parallel_loop3A_143 {strides = array<i32>} : memref<200x64xf32, #tpu.memory_space<vmem>>, vector<16xf32>,
        %parallel_loop3A_147 = arith.index_cast %parallel_loop3A_128 : i32 to index
        %parallel_loop3A_148 = arith.constant 32 : index
        %parallel_loop3A_149 = tpu.vector_load %arg7[%parallel_loop3A_147, %parallel_loop3A_148] {strides = array<i32>} : memref<200x64xf32, #tpu.memory_space<vmem>>, vector<16xf32>,
        %parallel_loop3A_150 = arith.constant 8.000000e+00 : f32
        %parallel_loop3A_151 = vector.broadcast %parallel_loop3A_150 : f32 to vector<16xf32>
        %parallel_loop3A_152 = arith.mulf %parallel_loop3A_149, %parallel_loop3A_151 : vector<16xf32>
        %parallel_loop3A_153 = arith.index_cast %parallel_loop3A_128 : i32 to index
        %parallel_loop3A_154 = arith.constant 32 : index
        %parallel_loop3A_155 = tpu.vector_load %arg7[%parallel_loop3A_153, %parallel_loop3A_154] {strides = array<i32>} : memref<200x64xf32, #tpu.memory_space<vmem>>, vector<16xf32>,
        tpu.vector_store %arg7[%parallel_loop3A_153, %parallel_loop3A_154], %parallel_loop3A_152 {strides = array<i32>} : memref<200x64xf32, #tpu.memory_space<vmem>>, vector<16xf32>,
        %parallel_loop3A_156 = arith.index_cast %parallel_loop3A_128 : i32 to index
        %parallel_loop3A_157 = arith.constant 48 : index
        %parallel_loop3A_158 = tpu.vector_load %arg7[%parallel_loop3A_156, %parallel_loop3A_157] {strides = array<i32>} : memref<200x64xf32, #tpu.memory_space<vmem>>, vector<16xf32>,
        %parallel_loop3A_159 = arith.constant 8.000000e+00 : f32
        %parallel_loop3A_160 = vector.broadcast %parallel_loop3A_159 : f32 to vector<16xf32>
        %parallel_loop3A_161 = arith.mulf %parallel_loop3A_158, %parallel_loop3A_160 : vector<16xf32>
        %parallel_loop3A_162 = arith.index_cast %parallel_loop3A_128 : i32 to index
        %parallel_loop3A_163 = arith.constant 48 : index
        %parallel_loop3A_164 = tpu.vector_load %arg7[%parallel_loop3A_162, %parallel_loop3A_163] {strides = array<i32>} : memref<200x64xf32, #tpu.memory_space<vmem>>, vector<16xf32>,
        tpu.vector_store %arg7[%parallel_loop3A_162, %parallel_loop3A_163], %parallel_loop3A_161 {strides = array<i32>} : memref<200x64xf32, #tpu.memory_space<vmem>>, vector<16xf32>,
      } {sc.loop_unroll_factor = 4 : i64, sc.parallel_access}
      %add3A_79 = arith.addi %multiple_of3A, %add3A_49 : i32
      %mul3A_80 = arith.constant 200 : i32
      %mul3A_81 = arith.muli %add3A_79, %mul3A_80 : i32
      %dma_start3A_82 = arith.constant 0 : i32
      %dma_start3A_83 = tpu.memref_slice %arg4[%mul3A_81, %dma_start3A_82] : memref<819200x64xf32, #tpu.memory_space<hbm>> -> memref<200x64xf32, #tpu.memory_space<hbm>>
      %dma_start3A_84 = arith.constant 0 : i32
      %dma_start3A_85 = tpu.memref_slice %arg4[%mul3A_81, %dma_start3A_84] : memref<819200x64xf32, #tpu.memory_space<hbm>> -> memref<200x64xf32, #tpu.memory_space<hbm>>
      tpu.enqueue_dma source(%arg7 : memref<200x64xf32, #tpu.memory_space<vmem>>) target(%dma_start3A_85 : memref<200x64xf32, #tpu.memory_space<hbm>>) target_semaphore(%arg11 : memref<!tpu.dma_semaphore, #tpu.memory_space<semaphore_mem>>)
      %add3A_86 = arith.constant 1 : i32
      %add3A_87 = arith.addi %add3A_47, %add3A_86 : i32
      %add3A_88 = arith.constant 1 : i32
      %add3A_89 = arith.addi %add3A_87, %add3A_88 : i32
      %lt3A_90 = arith.constant 128 : i32
      %lt3A_91 = arith.cmpi slt, %add3A_89, %lt3A_90 : i32
      %convert_element_type3A_92 = arith.extui %lt3A_91 : i1 to i32
      %cond3A_93 = arith.constant 0 : i32
      %cond3A_94 = arith.cmpi ne, %convert_element_type3A_92, %cond3A_93 : i32
      scf.if %cond3A_94 {
        %add3A_128 = arith.constant 1 : i32
        %add3A_129 = arith.addi %add3A_87, %add3A_128 : i32
        %dma_start3A_130 = arith.constant 0 : i32
        %dma_start3A_131 = arith.constant 0 : i32
        %dma_start3A_132 = tpu.memref_slice %arg7[%dma_start3A_130, %dma_start3A_131] : memref<200x64xf32, #tpu.memory_space<vmem>> -> memref<128x64xf32, #tpu.memory_space<vmem>>
        %dma_start3A_133 = arith.constant 0 : i32
        %dma_start3A_134 = tpu.memref_slice %arg6[%add3A_129, %dma_start3A_133] : memref<128x200xi32, #tpu.memory_space<vmem>> -> memref<1x128xi32, #tpu.memory_space<vmem>>
        %dma_start3A_135 = tpu.memref_squeeze %dma_start3A_134 : memref<1x128xi32, #tpu.memory_space<vmem>> -> memref<128xi32, #tpu.memory_space<vmem>>
        %dma_start3A_136 = arith.constant 0 : i32
        %dma_start3A_137 = arith.constant 0 : i32
        %dma_start3A_138 = tpu.memref_slice %arg3[%dma_start3A_136, %dma_start3A_137] : memref<1000000x64xf32, #tpu.memory_space<hbm>> -> memref<1000000x64xf32, #tpu.memory_space<hbm>>
        tpu.enqueue_indirect_dma source(%dma_start3A_138 : memref<1000000x64xf32, #tpu.memory_space<hbm>>) target(%dma_start3A_132 : memref<128x64xf32, #tpu.memory_space<vmem>>) offsets(%dma_start3A_135 : memref<128xi32, #tpu.memory_space<vmem>>) semaphore(%arg9 : memref<!tpu.dma_semaphore, #tpu.memory_space<semaphore_mem>>)
        %dma_start3A_139 = arith.constant 128 : i32
        %dma_start3A_140 = arith.constant 0 : i32
        %dma_start3A_141 = tpu.memref_slice %arg7[%dma_start3A_139, %dma_start3A_140] : memref<200x64xf32, #tpu.memory_space<vmem>> -> memref<72x64xf32, #tpu.memory_space<vmem>>
        %dma_start3A_142 = arith.constant 128 : i32
        %dma_start3A_143 = tpu.memref_slice %arg6[%add3A_129, %dma_start3A_142] : memref<128x200xi32, #tpu.memory_space<vmem>> -> memref<1x72xi32, #tpu.memory_space<vmem>>
        %dma_start3A_144 = tpu.memref_squeeze %dma_start3A_143 : memref<1x72xi32, #tpu.memory_space<vmem>> -> memref<72xi32, #tpu.memory_space<vmem>>
        %dma_start3A_145 = arith.constant 0 : i32
        %dma_start3A_146 = arith.constant 0 : i32
        %dma_start3A_147 = tpu.memref_slice %arg3[%dma_start3A_145, %dma_start3A_146] : memref<1000000x64xf32, #tpu.memory_space<hbm>> -> memref<1000000x64xf32, #tpu.memory_space<hbm>>
        tpu.enqueue_indirect_dma source(%dma_start3A_147 : memref<1000000x64xf32, #tpu.memory_space<hbm>>) target(%dma_start3A_141 : memref<72x64xf32, #tpu.memory_space<vmem>>) offsets(%dma_start3A_144 : memref<72xi32, #tpu.memory_space<vmem>>) semaphore(%arg9 : memref<!tpu.dma_semaphore, #tpu.memory_space<semaphore_mem>>)
      } else {
      }
      %dma_wait3A_95 = arith.constant 0 : i32
      %dma_wait3A_96 = arith.constant 0 : i32
      %dma_wait3A_97 = tpu.memref_slice %arg8[%dma_wait3A_95, %dma_wait3A_96] : memref<200x64xf32, #tpu.memory_space<vmem>> -> memref<128x64xf32, #tpu.memory_space<vmem>>
      %dma_wait3A_98 = arith.constant 0 : i32
      %dma_wait3A_99 = tpu.memref_slice %arg6[%add3A_87, %dma_wait3A_98] : memref<128x200xi32, #tpu.memory_space<vmem>> -> memref<1x128xi32, #tpu.memory_space<vmem>>
      %dma_wait3A_100 = tpu.memref_squeeze %dma_wait3A_99 : memref<1x128xi32, #tpu.memory_space<vmem>> -> memref<128xi32, #tpu.memory_space<vmem>>
      %dma_wait3A_101 = arith.constant 0 : i32
      %dma_wait3A_102 = arith.constant 0 : i32
      %dma_wait3A_103 = tpu.memref_slice %arg3[%dma_wait3A_101, %dma_wait3A_102] : memref<1000000x64xf32, #tpu.memory_space<hbm>> -> memref<1000000x64xf32, #tpu.memory_space<hbm>>
      tpu.wait_indirect_dma semaphore(%arg10 : memref<!tpu.dma_semaphore, #tpu.memory_space<semaphore_mem>>) src(%dma_wait3A_103 : memref<1000000x64xf32, #tpu.memory_space<hbm>>) dst(%dma_wait3A_97 : memref<128x64xf32, #tpu.memory_space<vmem>>)
      %dma_wait3A_104 = arith.constant 128 : i32
      %dma_wait3A_105 = arith.constant 0 : i32
      %dma_wait3A_106 = tpu.memref_slice %arg8[%dma_wait3A_104, %dma_wait3A_105] : memref<200x64xf32, #tpu.memory_space<vmem>> -> memref<72x64xf32, #tpu.memory_space<vmem>>
      %dma_wait3A_107 = arith.constant 128 : i32
      %dma_wait3A_108 = tpu.memref_slice %arg6[%add3A_87, %dma_wait3A_107] : memref<128x200xi32, #tpu.memory_space<vmem>> -> memref<1x72xi32, #tpu.memory_space<vmem>>
      %dma_wait3A_109 = tpu.memref_squeeze %dma_wait3A_108 : memref<1x72xi32, #tpu.memory_space<vmem>> -> memref<72xi32, #tpu.memory_space<vmem>>
      %dma_wait3A_110 = arith.constant 0 : i32
      %dma_wait3A_111 = arith.constant 0 : i32
      %dma_wait3A_112 = tpu.memref_slice %arg3[%dma_wait3A_110, %dma_wait3A_111] : memref<1000000x64xf32, #tpu.memory_space<hbm>> -> memref<1000000x64xf32, #tpu.memory_space<hbm>>
      tpu.wait_indirect_dma semaphore(%arg10 : memref<!tpu.dma_semaphore, #tpu.memory_space<semaphore_mem>>) src(%dma_wait3A_112 : memref<1000000x64xf32, #tpu.memory_space<hbm>>) dst(%dma_wait3A_106 : memref<72x64xf32, #tpu.memory_space<vmem>>)
      %ge3A_113 = arith.constant 2 : i32
      %ge3A_114 = arith.cmpi sge, %add3A_87, %ge3A_113 : i32
      %convert_element_type3A_115 = arith.extui %ge3A_114 : i1 to i32
      %cond3A_116 = arith.constant 0 : i32
      %cond3A_117 = arith.cmpi ne, %convert_element_type3A_115, %cond3A_116 : i32
      scf.if %cond3A_117 {
        %sub3A = arith.constant 2 : i32
        %sub3A_128 = arith.subi %add3A_87, %sub3A : i32
        %add3A_129 = arith.addi %multiple_of3A, %sub3A_128 : i32
        %mul3A_130 = arith.constant 200 : i32
        %mul3A_131 = arith.muli %add3A_129, %mul3A_130 : i32
        %dma_wait3A_132 = arith.constant 0 : i32
        %dma_wait3A_133 = tpu.memref_slice %arg4[%mul3A_131, %dma_wait3A_132] : memref<819200x64xf32, #tpu.memory_space<hbm>> -> memref<200x64xf32, #tpu.memory_space<hbm>>
        %dma_wait3A_134 = arith.constant 0 : i32
        %dma_wait3A_135 = tpu.memref_slice %arg4[%mul3A_131, %dma_wait3A_134] : memref<819200x64xf32, #tpu.memory_space<hbm>> -> memref<200x64xf32, #tpu.memory_space<hbm>>
        tpu.wait_dma2 semaphore(%arg12 : memref<!tpu.dma_semaphore, #tpu.memory_space<semaphore_mem>>) src(%arg8 : memref<200x64xf32, #tpu.memory_space<vmem>>) dst(%dma_wait3A_135 : memref<200x64xf32, #tpu.memory_space<hbm>>)
      } else {
      }
      %parallel_loop3A_118 = arith.constant 0 : i32
      %parallel_loop3A_119 = arith.constant 200 : i32
      %parallel_loop3A_120 = arith.constant 1 : i32
      scf.for %parallel_loop3A_128 = %parallel_loop3A_118 to %parallel_loop3A_119 step %parallel_loop3A_120  : i32 {
        %parallel_loop3A_129 = arith.index_cast %parallel_loop3A_128 : i32 to index
        %parallel_loop3A_130 = arith.constant 0 : index
        %parallel_loop3A_131 = tpu.vector_load %arg8[%parallel_loop3A_129, %parallel_loop3A_130] {strides = array<i32>} : memref<200x64xf32, #tpu.memory_space<vmem>>, vector<16xf32>,
        %parallel_loop3A_132 = arith.constant 8.000000e+00 : f32
        %parallel_loop3A_133 = vector.broadcast %parallel_loop3A_132 : f32 to vector<16xf32>
        %parallel_loop3A_134 = arith.mulf %parallel_loop3A_131, %parallel_loop3A_133 : vector<16xf32>
        %parallel_loop3A_135 = arith.index_cast %parallel_loop3A_128 : i32 to index
        %parallel_loop3A_136 = arith.constant 0 : index
        %parallel_loop3A_137 = tpu.vector_load %arg8[%parallel_loop3A_135, %parallel_loop3A_136] {strides = array<i32>} : memref<200x64xf32, #tpu.memory_space<vmem>>, vector<16xf32>,
        tpu.vector_store %arg8[%parallel_loop3A_135, %parallel_loop3A_136], %parallel_loop3A_134 {strides = array<i32>} : memref<200x64xf32, #tpu.memory_space<vmem>>, vector<16xf32>,
        %parallel_loop3A_138 = arith.index_cast %parallel_loop3A_128 : i32 to index
        %parallel_loop3A_139 = arith.constant 16 : index
        %parallel_loop3A_140 = tpu.vector_load %arg8[%parallel_loop3A_138, %parallel_loop3A_139] {strides = array<i32>} : memref<200x64xf32, #tpu.memory_space<vmem>>, vector<16xf32>,
        %parallel_loop3A_141 = arith.constant 8.000000e+00 : f32
        %parallel_loop3A_142 = vector.broadcast %parallel_loop3A_141 : f32 to vector<16xf32>
        %parallel_loop3A_143 = arith.mulf %parallel_loop3A_140, %parallel_loop3A_142 : vector<16xf32>
        %parallel_loop3A_144 = arith.index_cast %parallel_loop3A_128 : i32 to index
        %parallel_loop3A_145 = arith.constant 16 : index
        %parallel_loop3A_146 = tpu.vector_load %arg8[%parallel_loop3A_144, %parallel_loop3A_145] {strides = array<i32>} : memref<200x64xf32, #tpu.memory_space<vmem>>, vector<16xf32>,
        tpu.vector_store %arg8[%parallel_loop3A_144, %parallel_loop3A_145], %parallel_loop3A_143 {strides = array<i32>} : memref<200x64xf32, #tpu.memory_space<vmem>>, vector<16xf32>,
        %parallel_loop3A_147 = arith.index_cast %parallel_loop3A_128 : i32 to index
        %parallel_loop3A_148 = arith.constant 32 : index
        %parallel_loop3A_149 = tpu.vector_load %arg8[%parallel_loop3A_147, %parallel_loop3A_148] {strides = array<i32>} : memref<200x64xf32, #tpu.memory_space<vmem>>, vector<16xf32>,
        %parallel_loop3A_150 = arith.constant 8.000000e+00 : f32
        %parallel_loop3A_151 = vector.broadcast %parallel_loop3A_150 : f32 to vector<16xf32>
        %parallel_loop3A_152 = arith.mulf %parallel_loop3A_149, %parallel_loop3A_151 : vector<16xf32>
        %parallel_loop3A_153 = arith.index_cast %parallel_loop3A_128 : i32 to index
        %parallel_loop3A_154 = arith.constant 32 : index
        %parallel_loop3A_155 = tpu.vector_load %arg8[%parallel_loop3A_153, %parallel_loop3A_154] {strides = array<i32>} : memref<200x64xf32, #tpu.memory_space<vmem>>, vector<16xf32>,
        tpu.vector_store %arg8[%parallel_loop3A_153, %parallel_loop3A_154], %parallel_loop3A_152 {strides = array<i32>} : memref<200x64xf32, #tpu.memory_space<vmem>>, vector<16xf32>,
        %parallel_loop3A_156 = arith.index_cast %parallel_loop3A_128 : i32 to index
        %parallel_loop3A_157 = arith.constant 48 : index
        %parallel_loop3A_158 = tpu.vector_load %arg8[%parallel_loop3A_156, %parallel_loop3A_157] {strides = array<i32>} : memref<200x64xf32, #tpu.memory_space<vmem>>, vector<16xf32>,
        %parallel_loop3A_159 = arith.constant 8.000000e+00 : f32
        %parallel_loop3A_160 = vector.broadcast %parallel_loop3A_159 : f32 to vector<16xf32>
        %parallel_loop3A_161 = arith.mulf %parallel_loop3A_158, %parallel_loop3A_160 : vector<16xf32>
        %parallel_loop3A_162 = arith.index_cast %parallel_loop3A_128 : i32 to index
        %parallel_loop3A_163 = arith.constant 48 : index
        %parallel_loop3A_164 = tpu.vector_load %arg8[%parallel_loop3A_162, %parallel_loop3A_163] {strides = array<i32>} : memref<200x64xf32, #tpu.memory_space<vmem>>, vector<16xf32>,
        tpu.vector_store %arg8[%parallel_loop3A_162, %parallel_loop3A_163], %parallel_loop3A_161 {strides = array<i32>} : memref<200x64xf32, #tpu.memory_space<vmem>>, vector<16xf32>,
      } {sc.loop_unroll_factor = 4 : i64, sc.parallel_access}
      %add3A_121 = arith.addi %multiple_of3A, %add3A_87 : i32
      %mul3A_122 = arith.constant 200 : i32
      %mul3A_123 = arith.muli %add3A_121, %mul3A_122 : i32
      %dma_start3A_124 = arith.constant 0 : i32
      %dma_start3A_125 = tpu.memref_slice %arg4[%mul3A_123, %dma_start3A_124] : memref<819200x64xf32, #tpu.memory_space<hbm>> -> memref<200x64xf32, #tpu.memory_space<hbm>>
      %dma_start3A_126 = arith.constant 0 : i32
      %dma_start3A_127 = tpu.memref_slice %arg4[%mul3A_123, %dma_start3A_126] : memref<819200x64xf32, #tpu.memory_space<hbm>> -> memref<200x64xf32, #tpu.memory_space<hbm>>
      tpu.enqueue_dma source(%arg8 : memref<200x64xf32, #tpu.memory_space<vmem>>) target(%dma_start3A_127 : memref<200x64xf32, #tpu.memory_space<hbm>>) target_semaphore(%arg12 : memref<!tpu.dma_semaphore, #tpu.memory_space<semaphore_mem>>)
    }
    %scan3A_27 = arith.constant 64 : i32
    %add3A_28 = arith.constant 126 : i32
    %add3A_29 = arith.addi %multiple_of3A, %add3A_28 : i32
    %mul3A_30 = arith.constant 200 : i32
    %mul3A_31 = arith.muli %add3A_29, %mul3A_30 : i32
    %dma_wait3A = arith.constant 0 : i32
    %dma_wait3A_32 = tpu.memref_slice %arg4[%mul3A_31, %dma_wait3A] : memref<819200x64xf32, #tpu.memory_space<hbm>> -> memref<200x64xf32, #tpu.memory_space<hbm>>
    %dma_wait3A_33 = arith.constant 0 : i32
    %dma_wait3A_34 = tpu.memref_slice %arg4[%mul3A_31, %dma_wait3A_33] : memref<819200x64xf32, #tpu.memory_space<hbm>> -> memref<200x64xf32, #tpu.memory_space<hbm>>
    tpu.wait_dma2 semaphore(%arg11 : memref<!tpu.dma_semaphore, #tpu.memory_space<semaphore_mem>>) src(%arg7 : memref<200x64xf32, #tpu.memory_space<vmem>>) dst(%dma_wait3A_34 : memref<200x64xf32, #tpu.memory_space<hbm>>)
    %add3A_35 = arith.constant 127 : i32
    %add3A_36 = arith.addi %multiple_of3A, %add3A_35 : i32
    %mul3A_37 = arith.constant 200 : i32
    %mul3A_38 = arith.muli %add3A_36, %mul3A_37 : i32
    %dma_wait3A_39 = arith.constant 0 : i32
    %dma_wait3A_40 = tpu.memref_slice %arg4[%mul3A_38, %dma_wait3A_39] : memref<819200x64xf32, #tpu.memory_space<hbm>> -> memref<200x64xf32, #tpu.memory_space<hbm>>
    %dma_wait3A_41 = arith.constant 0 : i32
    %dma_wait3A_42 = tpu.memref_slice %arg4[%mul3A_38, %dma_wait3A_41] : memref<819200x64xf32, #tpu.memory_space<hbm>> -> memref<200x64xf32, #tpu.memory_space<hbm>>
    tpu.wait_dma2 semaphore(%arg12 : memref<!tpu.dma_semaphore, #tpu.memory_space<semaphore_mem>>) src(%arg8 : memref<200x64xf32, #tpu.memory_space<vmem>>) dst(%dma_wait3A_42 : memref<200x64xf32, #tpu.memory_space<hbm>>)
    return
  }
}

</mosaic_0001>

<sc_bundles>
// kernel: kernel.3.cloned.1.call-start
scs
__scs_entry_jumppad:
0x0: {  	(pc) =	sbr.rel $0x88, $3  }
0x1: {  	(tag) =	ssettag $0x0;
	lr =	simm.s32 $0x1  }
0x2: {  	[smem:$0x3F9F] =	sst lr;
	_ =	strace $0xD0000000  }
0x3: {  	_ = 	snop  }
0x4: {  	_ = 	snop  }
0x5: {  	_ = 	snop  }
0x6: {  	_ = 	snop  }
0x7: {  	_ = 	snop  }
__scs_overlays_trampoline_lowered:
0x8: {  	[smem:$0x3FAE] =	sst s0  }
0x9: {  	[smem:$0x3FAF] =	sst s1  }
0xa: {  	[smem:$0x3FB0] =	sst s2  }
0xb: {  	[smem:$0x3FB1] =	sst s3  }
0xc: {  	[smem:$0x3FB2] =	sst s4  }
0xd: {  	[smem:$0x3FB3] =	sst s5  }
0xe: {  	[smem:$0x3FB4] =	sst s6  }
0xf: {  	[smem:$0x3FB5] =	sst s7  }
0x10: {  	[smem:$0x3FB6] =	sst s8  }
0x11: {  	[smem:$0x3FB7] =	sst s9;
	s0 =	simm.s32 @!p0 $0x0  }
0x12: {  	s1 =	sld [smem:$0x3F9D];
	s0 =	simm.s32 @p0 $0x1  }
0x13: {  	[smem:$0x3FB8] =	sst s0;
	s0 =	simm.s32 @!p1 $0x0  }
0x14: {  	s2 =	sld [smem:$0x3F9C];
	s0 =	simm.s32 @p1 $0x1  }
0x15: {  	[smem:$0x3FB9] =	sst s0;
	s0 =	simm.s32 @!p2 $0x0  }
0x16: {  	s3 =	sld [smem:$0x3FDB];
	s0 =	simm.s32 @p2 $0x1  }
0x17: {  	s4 =	simm.s32 $0x1BF5;
	[smem:$0x3FBB] =	sst s0  }
0x18: {  	s0 =	sld [smem:$0x3F9E];
	_ =	swait.ge [sflag:s4], $0x0  }
0x19: {  	s7 =	sld [smem:$0x3F9F]  }
0x1a: {  	s8 =	sadd.s32 $0xFFFFE003, lr  }
0x1b: {  	s9 =	sadd.s32 $0xFFFFFEF7, lr;
	s5 =	simm.s32 $0xFFFFFFFF;
	p2 =	slt.u32 s8, $0xFFFFF086  }
0x1c: {  	p1 =	slt.u32 s9, $0xF7A;
	s5 =	simm.s32 @!p2 $0x0  }
0x1d: {  	s5 =	simm.s32 @p1 $0x1;
	p0 =	seq.s32 s7, s2  }
0x1e: {  	s7 =	smul.u32 @!p0 $0xF7A, s2;
	p2 =	seq.s32 @!p0 s5, $0x0  }
0x1f: {  	s9 =	smul.u32 $0xF7A, s1;
	s8 =	simm.s32 @!p0 $0x1BF5;
	p2 =	por !p2, p0  }
0x20: {  	[sflag:s8] =	ssyncset.s32 @!p0 $0xFFFFF086;
	s6 =	sadd.s32 @!p0 s3, s7;
	s7 =	simm.s32 @!p0 $0x108  }
0x21: {  	s3 =	sadd.s32 s3, s9;
	s6 =	sadd.s32 @!p0 $0x88, s6;
	s7 =	simm.s32 @p2 $0x1082  }
0x22: {  	[simem:s7], [sflag:s8] =	dma.local @!p0 [hbm:s6], $0xF7A  }
0x23: {  	s9 =	sor.u32 $0xD0000000, s2;
	s6 =	simm.s32 $0x108;
	_ =	swait.ge @!p0 [sflag:s8], $0x0  }
0x24: {  	s3 =	sadd.s32 $0x88, s3;
	s6 =	simm.s32 @!p1 $0x1082;
	[sflag:s4] =	ssyncset.s32 $0xFFFFF086  }
0x25: {  	[simem:s6], [sflag:s4] =	dma.local [hbm:s3], $0xF7A  }
0x26: {  	[smem:$0x3F9F] =	sst s1;
	(tag) =	ssettag s2;
	_ =	strace s9  }
0x27: {  	s1 =	sld [smem:$0x3FAF]  }
0x28: {  	s2 =	sld [smem:$0x3FB0]  }
0x29: {  	s4 =	sld [smem:$0x3FB2]  }
0x2a: {  	p0 =	seq.s32 s5, $0x0;
	s5 =	sld [smem:$0x3FB3]  }
0x2b: {  	s6 =	sld [smem:$0x3FB4]  }
0x2c: {  	s7 =	sld [smem:$0x3FB5]  }
0x2d: {  	s3 =	simm.s32 $0x108;
	s8 =	sld [smem:$0x3FB6]  }
0x2e: {  	s3 =	simm.s32 @!p0 $0x1082;
	s9 =	sld [smem:$0x3FB7]  }
0x2f: {  	lr =	sadd.s32 s0, s3;
	s0 =	sld [smem:$0x3FAE]  }
0x30: {  	s3 =	sld [smem:$0x3FB1]  }
0x31: {  	[smem:$0x3FBA] =	sst s10  }
0x32: {  	s10 =	sld [smem:$0x3FB8];
	_ =	sdelay $0x3  }
0x33: {  	p0 =	seq.s32 s10, $0x1;
	s10 =	sld [smem:$0x3FBA];
	_ =	sdelay $0x3  }
0x34: {  	[smem:$0x3FBA] =	sst s10  }
0x35: {  	s10 =	sld [smem:$0x3FB9];
	_ =	sdelay $0x3  }
0x36: {  	p1 =	seq.s32 s10, $0x1;
	s10 =	sld [smem:$0x3FBA];
	_ =	sdelay $0x3  }
0x37: {  	[smem:$0x3FBA] =	sst s10  }
0x38: {  	s10 =	sld [smem:$0x3FBB]  }
0x39: {  	_ = 	snop;
	(pc) =	sbr.ind lr, $3  }
0x3a: {  	_ = 	snop  }
0x3b: {  	_ = 	snop  }
0x3c: {  	p2 =	seq.s32 s10, $0x1;
	s10 =	sld [smem:$0x3FBA]  }
0x3d: {  	_ =	shalt  }
0x3e: {  	_ =	shalt  }
0x3f: {  	_ =	shalt  }
0x40: {  	_ =	shalt  }
0x41: {  	_ =	shalt  }
0x42: {  	_ =	shalt  }
0x43: {  	_ =	shalt  }
0x44: {  	_ =	shalt  }
0x45: {  	_ =	shalt  }
0x46: {  	_ =	shalt  }
0x47: {  	_ =	shalt  }
0x48: {  	_ =	shalt  }
0x49: {  	_ =	shalt  }
0x4a: {  	_ =	shalt  }
0x4b: {  	_ =	shalt  }
0x4c: {  	_ =	shalt  }
0x4d: {  	_ =	shalt  }
0x4e: {  	_ =	shalt  }
0x4f: {  	_ =	shalt  }
0x50: {  	_ =	shalt  }
0x51: {  	_ =	shalt  }
0x52: {  	_ =	shalt  }
0x53: {  	_ =	shalt  }
0x54: {  	_ =	shalt  }
0x55: {  	_ =	shalt  }
0x56: {  	_ =	shalt  }
0x57: {  	_ =	shalt  }
0x58: {  	_ =	shalt  }
0x59: {  	_ =	shalt  }
0x5a: {  	_ =	shalt  }
0x5b: {  	_ =	shalt  }
0x5c: {  	_ =	shalt  }
0x5d: {  	_ =	shalt  }
0x5e: {  	_ =	shalt  }
0x5f: {  	_ =	shalt  }
0x60: {  	_ =	shalt  }
0x61: {  	_ =	shalt  }
0x62: {  	_ =	shalt  }
0x63: {  	_ =	shalt  }
0x64: {  	_ =	shalt  }
0x65: {  	_ =	shalt  }
0x66: {  	_ =	shalt  }
0x67: {  	_ =	shalt  }
0x68: {  	_ =	shalt  }
0x69: {  	_ =	shalt  }
0x6a: {  	_ =	shalt  }
0x6b: {  	_ =	shalt  }
0x6c: {  	_ =	shalt  }
0x6d: {  	_ =	shalt  }
0x6e: {  	_ =	shalt  }
0x6f: {  	_ =	shalt  }
0x70: {  	_ =	shalt  }
0x71: {  	_ =	shalt  }
0x72: {  	_ =	shalt  }
0x73: {  	_ =	shalt  }
0x74: {  	_ =	shalt  }
0x75: {  	_ =	shalt  }
0x76: {  	_ =	shalt  }
0x77: {  	_ =	shalt  }
0x78: {  	_ =	shalt  }
0x79: {  	_ =	shalt  }
0x7a: {  	_ =	shalt  }
0x7b: {  	_ =	shalt  }
0x7c: {  	_ =	shalt  }
0x7d: {  	_ =	shalt  }
0x7e: {  	_ =	shalt  }
0x7f: {  	_ =	shalt  }
0x80: {  	_ =	shalt  }
0x81: {  	_ =	shalt  }
0x82: {  	_ =	shalt  }
0x83: {  	_ =	shalt  }
0x84: {  	_ =	shalt  }
0x85: {  	_ =	shalt  }
0x86: {  	_ =	shalt  }
0x87: {  	_ =	shalt  }
.Lfunc_end0:
.L_simem_size_0:
called_computation.1_lowered:
.L_overlay_start_0:
0x88: {  	s2 =	sld [smem:$0x3FD9]  }
0x89: {  	s3 =	sld [smem:$0x3FFE];
	_ =	sdelay $0x1  }
0x8a: {  	s1 =	srdreg.scid  }
0x8b: {  	s0 =	sand.u32 $0x1, s1  }
0x8c: {  	s17 =	sshll.u32 s0, $0xA;
	s2 =	sadd.s32 s3, s2  }
0x8d: {  	s2 =	sadd.s32 s2, s17  }
0x8e: {  	[smem:$0x3FC6] =	sst s2  }
0x8f: {  	_ = 	snop  }
0x90: {  	s2 =	sld [smem:$0x3FD0];
	(tm) =	ssettm $0x1  }
0x91: {  	s18 =	sld [smem:$0x3FFB];
	_ =	sdelay $0x3  }
0x92: {  	_ =	strace s18  }
0x93: {  	s3 =	sld [smem:$0x3FFC];
	_ =	sdelay $0x3  }
0x94: {  	_ =	strace s3  }
0x95: {  	s3 =	sld [smem:$0x3FFD];
	_ =	sdelay $0x3  }
0x96: {  	_ =	strace s3  }
0x97: {  	_ =	strace $0x8FFFFFFF  }
0x98: {  	s19 =	sld [smem:$0x3FDB];
	_ =	sdelay $0x1  }
0x99: {  	s4 =	simm.s32 $_scs_section_size  }
0x9a: {  	s5 =	simm.s32 $_size__tile_overlayer_lowered;
	s6 =	simm.s32 $_tile_overlayer_lowered  }
0x9b: {  	s22 =	simm.s32 $0x1BFF;
	s21 =	sshll.u32 s6, $0x1;
	s3 =	sadd.s32 s4, s19  }
0x9c: {  	s7 =	simm.s32 $0x0;
	s20 =	sshll.u32 s5, $0x1;
	s5 =	sadd.s32 s21, s3  }
0x9d: {  	[timem:s7], [sflag:s22] =	dma.local [hbm:s5], s20  }
0x9e: {  	_ =	swait.ge [sflag:s22], s20  }
0x9f: {  	s4 =	ssub.s32 $0x0, s20;
	[sflag:s22] =	ssyncset.done $0x0  }
0xa0: {  	[sflag:s22] =	ssyncadd.s32 s4;
	_ =	sdelay $0x1  }
0xa1: {  	s23 =	simm.s32 $0x1B8B  }
0xa2: {  	_ =	swait.ge [sflag:s23], $0x1  }
0xa3: {  	[sflag:s23] =	ssyncset.done $0x0  }
0xa4: {  	s25 =	simm.s32 $0x1B8E;
	s24 =	sld [smem:$0x3FFE];
	[sflag:s23] =	ssyncadd.s32 $0xFFFFFFFF  }
0xa5: {  	s26 =	simm.s32 $execute0_lowered;
	[smem:$0x3FD2] =	sst s25  }
0xa6: {  	s5 =	sshll.u32 s26, $0x1;
	_ =	strace $0x80000046;
	[dreg:$0x1] =	wrdreg $0xFFFFFFFF  }
0xa7: {  	s28 =	simm.s32 $_size_execute0_lowered;
	s3 =	sadd.s32 s3, s5;
	[dreg:$0x0] =	wrdreg $0x0  }
0xa8: {  	s5 =	sshll.u32 s28, $0x1;
	[dreg:$0x2] =	wrdreg s3  }
0xa9: {  	[dreg:$0x3] =	wrdreg s5  }
0xaa: {  	[dreg:$0x4] =	wrdreg $0xC0  }
0xab: {  	_ =	task [dreg:s7], $0x5FFFF  }
0xac: {  	[dreg:$0x1] =	wrdreg $0xFFFFFFFF  }
0xad: {  	[dreg:$0x0] =	wrdreg $0x60  }
0xae: {  	[dreg:$0x2] =	wrdreg s24  }
0xaf: {  	[dreg:$0x3] =	wrdreg s2  }
0xb0: {  	[dreg:$0x4] =	wrdreg $0x9  }
0xb1: {  	_ =	task.clear_ibuf [dreg:s7], $0x5FFFF;
	_ =	strace $0x90000046  }
0xb2: {  	s29 =	simm.s32 $0x9;
	_ =	strace $0x80000048  }
0xb3: {  	_ =	swait.ge [sflag:s29], $0x1  }
0xb4: {  	[sflag:s29] =	ssyncadd.s32 $0xFFFFFFFF  }
0xb5: {  	_ =	strace $0x90000048  }
0xb6: {  	_ =	sfence  }
0xb7: {  	s30 =	sld [smem:$0x0];
	_ =	sdelay $0x2  }
0xb8: {  	s31 =	sshll.u32 s1, $0xD;
	s1 =	sshrl.u32 s1, $0x2  }
0xb9: {  	s3 =	sand.u32 $0x4000, s31;
	s1 =	sadd.s32 s1, s30  }
0xba: {  	s0 =	sor.u32 s3, s0;
	s1 =	sshll.u32 s1, $0x11  }
0xbb: {  	s0 =	sor.u32 s1, s0  }
0xbc: {  	s0 =	sadd.s32 $0x8F2B, s0  }
0xbd: {  	[sflag:s0] =	ssyncadd.remote.s32 $0x1  }
0xbe: {  	_ =	sfence.sel $0xFFFF  }
0xbf: {  	[dreg:$0x0] =	wrdreg $0xFFFFFFFF;
	(pc) =	sbr.abs _section_cstart, $3  }
0xc0: {  	[dreg:$0x1] =	wrdreg $0xFFFFFFFF  }
0xc1: {  	_ =	task.clear_ibuf [dreg:s7], $0x2FFFF;
	_ =	strace $0x9FFFFFFF  }
0xc2: {  	(tm) =	ssettm $0x7FFFFFFF  }
0xc3: {  	_ =	shalt  }
tec
execute0_lowered:
.L_overlay_start_1:
0x0: {  	(tag) =	ssettag $0x1  }
0x1: {  	s5 =	rddreg [dreg:$0x0];
	s0 =	srdreg.scid  }
0x2: {  	s2 =	rddreg [dreg:$0x1];
	s1 =	stileid.u32;
	s3 =	simm.s32 $0x0  }
0x3: {  	s9 =	simm.s32 $0x1000;
	s10 =	simm.s32 $0x5;
	s11 =	simm.s32 $0x6400  }
0x4: {  	s12 =	simm.s32 $0xC800;
	s13 =	simm.s32 $0x48;
	s14 =	simm.s32 $0x6480  }
0x5: {  	s15 =	simm.s32 $0xE800;
	s16 =	simm.s32 $0xFA00;
	s17 =	simm.s32 $0x11A00  }
0x6: {  	s18 =	simm.s32 $0x1;
	s19 =	simm.s32 $0x2;
	s20 =	simm.s32 $0x3  }
0x7: {  	v0 =	vlaneseq.u32;
	s21 =	simm.s32 $0x4;
	s22 =	simm.s32 $0x0;
	s6 =	sand.u32 $0x1, s0  }
0x8: {  	s0 =	rddreg [dreg:$0x2];
	s4 =	sshll.u32 s1, $0x8;
	v0 =	vmul.u32 $0xC8, v0;
	s7 =	sshll.u32 s6, $0x7  }
0x9: {  	[smem:$0x7FF] =	sst s3;
	s6 =	ssub.s32 $0x2, s6;
	s4 =	sor.u32 s7, s4  }
0xa: {  	_ =	strace $0x80000047;
	s8 =	sshrl.u32 s6, $0x1;
	v1 =	vadd.s32 $0xC80, v0;
	s7 =	sshrl.u32 s4, $0x3  }
0xb: {  	v2 =	vadd.s32 $0x1900, v0;
	v3 =	vadd.s32 $0x2580, v0;
	v4 =	vadd.s32 $0x3200, v0;
	s8 =	ssub.s32 s6, s8;
	s7 =	sadd.s32 s7, s5;
	s5 =	sadd.s32 $0xF42E00, s5  }
0xc: {  	v5 =	vadd.s32 $0x3E80, v0;
	v6 =	vadd.s32 $0x4B00, v0;
	v7 =	vadd.s32 $0x5780, v0;
	s6 =	sadd.s32 $0xA00, s7;
	s7 =	smax.u32 s8, $0x1;
	s8 =	simm.s32 $0x80  }
.LBB2_1:
0xd: {  	[tilespmem:s3], [sflag:$0x5] =	stream.strided.gather [hbm4b:s6+s8], $0x6400, s9, s8, $0x38;
	[tilespmem:$0x12C00] =	vst v63  }
0xe: {  	_ =	swait.ge [sflag:s10], $0x6400  }
0xf: {  	v8 =	vmov s3;
	[sflag:s10] =	ssyncset.done $0x0  }
0x10: {  	s29 =	simm.s32 $0x40;
	v13 =	vand.u32 $0xFF, v8;
	[sflag:s10] =	ssyncadd.s32 $0xFFFF9C00  }
0x11: {  	v9 =	vadd.s32 v0, v13;
	v8 =	vld [tilespmem:s29+$0xFFFFFFC0];
	_ =	sdelay $0x4  }
0x12: {  	s23 =	simm.s32 $0x1;
	[tilespmem:v9+s11+$0x0] =	vst.idx.msk $0xffff, v8  }
0x13: {  	v10 =	vadd.s32 v1, v13;
	v8 =	vmov s23;
	v9 =	vld [tilespmem:s29+$0xFFFFFFD0]  }
0x14: {  	s23 =	simm.s32 $0xC0;
	v8 =	vand.u32 $0xFF, v8  }
0x15: {  	v11 =	vld [tilespmem:s23+$0xFFFFFFC0];
	v12 =	vadd.s32 v0, v8;
	_ =	sdelay $0x2  }
0x16: {  	[tilespmem:v10+s11+$0x0] =	vst.idx.msk $0xffff, v9  }
0x17: {  	v14 =	vadd.s32 v2, v13;
	v10 =	vld [tilespmem:s29+$0xFFFFFFE0]  }
0x18: {  	s24 =	simm.s32 $0x2;
	[tilespmem:v12+s11+$0x0] =	vst.idx.msk $0xffff, v11  }
0x19: {  	v9 =	vmov s24;
	v12 =	vadd.s32 v1, v8;
	v11 =	vld [tilespmem:s23+$0xFFFFFFD0]  }
0x1a: {  	s24 =	simm.s32 $0x140;
	v9 =	vand.u32 $0xFF, v9  }
0x1b: {  	v15 =	vld [tilespmem:s24+$0xFFFFFFC0];
	v16 =	vadd.s32 v0, v9  }
0x1c: {  	[tilespmem:v14+s11+$0x0] =	vst.idx.msk $0xffff, v10  }
0x1d: {  	v17 =	vadd.s32 v3, v13;
	v14 =	vld [tilespmem:s29+$0xFFFFFFF0]  }
0x1e: {  	[tilespmem:v12+s11+$0x0] =	vst.idx.msk $0xffff, v11  }
0x1f: {  	s25 =	simm.s32 $0x3;
	v12 =	vadd.s32 v2, v8;
	v11 =	vld [tilespmem:s23+$0xFFFFFFE0]  }
0x20: {  	v10 =	vmov s25;
	[tilespmem:v16+s11+$0x0] =	vst.idx.msk $0xffff, v15  }
0x21: {  	s25 =	simm.s32 $0x1C0;
	v16 =	vadd.s32 v1, v9;
	v10 =	vand.u32 $0xFF, v10;
	v15 =	vld [tilespmem:s24+$0xFFFFFFD0]  }
0x22: {  	[tilespmem:v17+s11+$0x0] =	vst.idx.msk $0xffff, v14;
	v14 =	vld [tilespmem:s25+$0xFFFFFFC0];
	v17 =	vadd.s32 v0, v10  }
0x23: {  	v19 =	vadd.s32 v4, v13;
	v18 =	vld [tilespmem:s29+$0x0]  }
0x24: {  	[tilespmem:v12+s11+$0x0] =	vst.idx.msk $0xffff, v11  }
0x25: {  	v20 =	vadd.s32 v3, v8;
	v12 =	vld [tilespmem:s23+$0xFFFFFFF0]  }
0x26: {  	[tilespmem:v16+s11+$0x0] =	vst.idx.msk $0xffff, v15  }
0x27: {  	s26 =	simm.s32 $0x4;
	v16 =	vadd.s32 v2, v9;
	v15 =	vld [tilespmem:s24+$0xFFFFFFE0];
	[tilespmem:v17+s11+$0x0] =	vst.idx.msk $0xffff, v14  }
0x28: {  	v11 =	vmov s26;
	v17 =	vadd.s32 v1, v10;
	v14 =	vld [tilespmem:s25+$0xFFFFFFD0];
	[tilespmem:v19+s11+$0x0] =	vst.idx.msk $0xffff, v18  }
0x29: {  	s26 =	simm.s32 $0x240;
	v11 =	vand.u32 $0xFF, v11;
	v19 =	vadd.s32 v5, v13;
	v18 =	vld [tilespmem:s29+$0x10]  }
0x2a: {  	[tilespmem:v20+s11+$0x0] =	vst.idx.msk $0xffff, v12;
	v12 =	vld [tilespmem:s26+$0xFFFFFFC0];
	v20 =	vadd.s32 v0, v11  }
0x2b: {  	v22 =	vadd.s32 v4, v8;
	v21 =	vld [tilespmem:s23+$0x0]  }
0x2c: {  	[tilespmem:v16+s11+$0x0] =	vst.idx.msk $0xffff, v15  }
0x2d: {  	v16 =	vadd.s32 v3, v9;
	v15 =	vld [tilespmem:s24+$0xFFFFFFF0];
	[tilespmem:v17+s11+$0x0] =	vst.idx.msk $0xffff, v14  }
0x2e: {  	v17 =	vadd.s32 v2, v10;
	v14 =	vld [tilespmem:s25+$0xFFFFFFE0];
	[tilespmem:v19+s11+$0x0] =	vst.idx.msk $0xffff, v18  }
0x2f: {  	s28 =	simm.s32 $0x5;
	[tilespmem:v20+s11+$0x0] =	vst.idx.msk $0xffff, v12;
	v19 =	vadd.s32 v6, v13;
	v18 =	vld [tilespmem:s29+$0x20]  }
0x30: {  	v23 =	vadd.s32 v1, v11;
	v12 =	vmov s28;
	v20 =	vld [tilespmem:s26+$0xFFFFFFD0];
	[tilespmem:v22+s11+$0x0] =	vst.idx.msk $0xffff, v21  }
0x31: {  	s28 =	simm.s32 $0x2C0;
	v12 =	vand.u32 $0xFF, v12;
	v22 =	vadd.s32 v5, v8;
	v21 =	vld [tilespmem:s23+$0x10]  }
0x32: {  	[tilespmem:v16+s11+$0x0] =	vst.idx.msk $0xffff, v15;
	v15 =	vld [tilespmem:s28+$0xFFFFFFC0];
	v16 =	vadd.s32 v0, v12  }
0x33: {  	v25 =	vadd.s32 v4, v9;
	v24 =	vld [tilespmem:s24+$0x0];
	[tilespmem:v17+s11+$0x0] =	vst.idx.msk $0xffff, v14  }
0x34: {  	v27 =	vadd.s32 v3, v10;
	v26 =	vld [tilespmem:s25+$0xFFFFFFF0];
	[tilespmem:v19+s11+$0x0] =	vst.idx.msk $0xffff, v18  }
0x35: {  	v17 =	vadd.s32 v7, v13;
	[tilespmem:v23+s11+$0x0] =	vst.idx.msk $0xffff, v20;
	v14 =	vld [tilespmem:s29+$0x30]  }
0x36: {  	v20 =	vld [tilespmem:s26+$0xFFFFFFE0];
	[tilespmem:v22+s11+$0x0] =	vst.idx.msk $0xffff, v21;
	v21 =	vadd.s32 v2, v11  }
0x37: {  	s29 =	simm.s32 $0x6;
	[tilespmem:v16+s11+$0x0] =	vst.idx.msk $0xffff, v15;
	v16 =	vadd.s32 v6, v8;
	v15 =	vld [tilespmem:s23+$0x20]  }
0x38: {  	v23 =	vadd.s32 v1, v12;
	[tilespmem:v25+s11+$0x0] =	vst.idx.msk $0xffff, v24;
	v13 =	vmov s29;
	v22 =	vld [tilespmem:s28+$0xFFFFFFD0]  }
0x39: {  	s30 =	simm.s32 $0x7;
	v19 =	vadd.s32 v5, v9;
	s29 =	simm.s32 $0x340;
	v18 =	vld [tilespmem:s24+$0x10];
	v13 =	vand.u32 $0xFF, v13;
	[tilespmem:v27+s11+$0x0] =	vst.idx.msk $0xffff, v26  }
.LBB2_2:
0x3a: {  	p0 =	sne.s32 s30, $0xC7;
	v24 =	vld [tilespmem:s29+$0xFFFFFFC0];
	v25 =	vadd.s32 v0, v13;
	[tilespmem:v17+s11+$0x0] =	vst.idx.msk $0xffff, v14  }
0x3b: {  	v27 =	vadd.s32 v4, v10;
	[tilespmem:v21+s11+$0x0] =	vst.idx.msk $0xffff, v20;
	v26 =	vld [tilespmem:s25+$0x0]  }
0x3c: {  	v29 =	vadd.s32 v3, v11;
	v28 =	vld [tilespmem:s26+$0xFFFFFFF0];
	[tilespmem:v16+s11+$0x0] =	vst.idx.msk $0xffff, v15  }
.Ltmp0:
0x3d: {  	v17 =	vadd.s32 v7, v8;
	v8 =	vmovc v9;
	v9 =	vmov v10;
	v10 =	vmov v11;
	[tilespmem:v23+s11+$0x0] =	vst.idx.msk $0xffff, v22;
	v14 =	vld [tilespmem:s23+$0x30];
	s23 =	smov.u32 s24;
	s24 =	smov.u32 s25;
	(pc) =	sbr.rel @p0 .LBB2_2-.Ltmp0, $4  }
0x3e: {  	v11 =	vmov v12;
	v21 =	vadd.s32 v2, v12;
	v12 =	vmov v13;
	s25 =	smov.u32 s26;
	s26 =	smov.u32 s28;
	v20 =	vld [tilespmem:s28+$0xFFFFFFE0];
	[tilespmem:v19+s11+$0x0] =	vst.idx.msk $0xffff, v18;
	s28 =	smov.u32 s29  }
0x3f: {  	v16 =	vadd.s32 v6, v8;
	[tilespmem:v25+s11+$0x0] =	vst.idx.msk $0xffff, v24;
	v15 =	vld [tilespmem:s23+$0x20]  }
0x40: {  	v13 =	vmov s30;
	v23 =	vadd.s32 v1, v12;
	v22 =	vld [tilespmem:s29+$0xFFFFFFD0];
	[tilespmem:v27+s11+$0x0] =	vst.idx.msk $0xffff, v26  }
0x41: {  	s30 =	sadd.s32 $0x1, s30;
	v13 =	vand.u32 $0xFF, v13;
	v19 =	vadd.s32 v5, v9;
	s29 =	sadd.s32 $0x80, s29;
	[tilespmem:v29+s11+$0x0] =	vst.idx.msk $0xffff, v28;
	v18 =	vld [tilespmem:s24+$0x10]  }
0x42: {  	v24 =	vld [tilespmem:s29+$0xFFFFFFC0];
	v25 =	vadd.s32 v0, v13;
	_ =	sdelay $0x4  }
0x43: {  	[tilespmem:v25+s11+$0x0] =	vst.idx.msk $0xffff, v24  }
0x44: {  	v33 =	vadd.s32 v1, v13;
	v24 =	vld [tilespmem:s29+$0xFFFFFFD0];
	_ =	sdelay $0x3  }
0x45: {  	[tilespmem:v23+s11+$0x0] =	vst.idx.msk $0xffff, v22  }
0x46: {  	v34 =	vadd.s32 v2, v12;
	v22 =	vld [tilespmem:s28+$0xFFFFFFE0];
	[tilespmem:v33+s11+$0x0] =	vst.idx.msk $0xffff, v24  }
0x47: {  	v35 =	vadd.s32 v2, v13;
	v24 =	vld [tilespmem:s29+$0xFFFFFFE0];
	_ =	sdelay $0x2  }
0x48: {  	[tilespmem:v21+s11+$0x0] =	vst.idx.msk $0xffff, v20  }
0x49: {  	v36 =	vadd.s32 v3, v11;
	v20 =	vld [tilespmem:s26+$0xFFFFFFF0];
	[tilespmem:v34+s11+$0x0] =	vst.idx.msk $0xffff, v22  }
0x4a: {  	v37 =	vadd.s32 v3, v12;
	v22 =	vld [tilespmem:s28+$0xFFFFFFF0];
	[tilespmem:v35+s11+$0x0] =	vst.idx.msk $0xffff, v24  }
0x4b: {  	v38 =	vadd.s32 v3, v13;
	v24 =	vld [tilespmem:s29+$0xFFFFFFF0];
	_ =	sdelay $0x2  }
0x4c: {  	v26 =	vld [tilespmem:s25+$0x0];
	v27 =	vadd.s32 v4, v10;
	[tilespmem:v36+s11+$0x0] =	vst.idx.msk $0xffff, v20  }
0x4d: {  	v39 =	vadd.s32 v4, v11;
	v20 =	vld [tilespmem:s26+$0x0];
	[tilespmem:v37+s11+$0x0] =	vst.idx.msk $0xffff, v22  }
0x4e: {  	v40 =	vadd.s32 v4, v12;
	v22 =	vld [tilespmem:s28+$0x0];
	[tilespmem:v38+s11+$0x0] =	vst.idx.msk $0xffff, v24  }
0x4f: {  	v41 =	vadd.s32 v4, v13;
	v24 =	vld [tilespmem:s29+$0x0];
	_ =	sdelay $0x1  }
0x50: {  	[tilespmem:v27+s11+$0x0] =	vst.idx.msk $0xffff, v26  }
0x51: {  	v43 =	vadd.s32 v5, v10;
	v42 =	vld [tilespmem:s25+$0x10];
	[tilespmem:v39+s11+$0x0] =	vst.idx.msk $0xffff, v20  }
0x52: {  	v45 =	vadd.s32 v5, v11;
	v44 =	vld [tilespmem:s26+$0x10];
	[tilespmem:v40+s11+$0x0] =	vst.idx.msk $0xffff, v22  }
0x53: {  	v47 =	vadd.s32 v5, v12;
	v46 =	vld [tilespmem:s28+$0x10];
	[tilespmem:v41+s11+$0x0] =	vst.idx.msk $0xffff, v24  }
0x54: {  	[tilespmem:v17+s11+$0x0] =	vst.idx.msk $0xffff, v14;
	v49 =	vadd.s32 v5, v13;
	v48 =	vld [tilespmem:s29+$0x10]  }
0x55: {  	[tilespmem:v19+s11+$0x0] =	vst.idx.msk $0xffff, v18  }
0x56: {  	v50 =	vadd.s32 v6, v9;
	v18 =	vld [tilespmem:s24+$0x20];
	[tilespmem:v43+s11+$0x0] =	vst.idx.msk $0xffff, v42  }
0x57: {  	v51 =	vadd.s32 v6, v10;
	v20 =	vld [tilespmem:s25+$0x20];
	[tilespmem:v45+s11+$0x0] =	vst.idx.msk $0xffff, v44  }
0x58: {  	v52 =	vadd.s32 v6, v11;
	v22 =	vld [tilespmem:s26+$0x20];
	[tilespmem:v47+s11+$0x0] =	vst.idx.msk $0xffff, v46  }
0x59: {  	v53 =	vadd.s32 v6, v12;
	v24 =	vld [tilespmem:s28+$0x20];
	[tilespmem:v49+s11+$0x0] =	vst.idx.msk $0xffff, v48  }
0x5a: {  	v54 =	vadd.s32 v6, v13;
	[tilespmem:v16+s11+$0x0] =	vst.idx.msk $0xffff, v15;
	v14 =	vld [tilespmem:s29+$0x20]  }
0x5b: {  	v8 =	vadd.s32 v7, v8;
	v16 =	vld [tilespmem:s23+$0x30];
	[tilespmem:v50+s11+$0x0] =	vst.idx.msk $0xffff, v18  }
0x5c: {  	v56 =	vadd.s32 v7, v9;
	v55 =	vld [tilespmem:s24+$0x30];
	[tilespmem:v51+s11+$0x0] =	vst.idx.msk $0xffff, v20  }
0x5d: {  	v58 =	vadd.s32 v7, v10;
	v57 =	vld [tilespmem:s25+$0x30];
	[tilespmem:v52+s11+$0x0] =	vst.idx.msk $0xffff, v22  }
0x5e: {  	v60 =	vadd.s32 v7, v11;
	v59 =	vld [tilespmem:s26+$0x30];
	[tilespmem:v53+s11+$0x0] =	vst.idx.msk $0xffff, v24  }
0x5f: {  	v62 =	vadd.s32 v7, v12;
	v61 =	vld [tilespmem:s28+$0x30];
	[tilespmem:v54+s11+$0x0] =	vst.idx.msk $0xffff, v14  }
0x60: {  	v63 =	vadd.s32 v7, v13;
	[tilespmem:v8+s11+$0x0] =	vst.idx.msk $0xffff, v16;
	v8 =	vld [tilespmem:s29+$0x30]  }
0x61: {  	[tilespmem:v56+s11+$0x0] =	vst.idx.msk $0xffff, v55  }
0x62: {  	[tilespmem:v58+s11+$0x0] =	vst.idx.msk $0xffff, v57  }
0x63: {  	[tilespmem:v60+s11+$0x0] =	vst.idx.msk $0xffff, v59  }
0x64: {  	[tilespmem:v62+s11+$0x0] =	vst.idx.msk $0xffff, v61  }
0x65: {  	[tilespmem:v63+s11+$0x0] =	vst.idx.msk $0xffff, v8  }
0x66: {  	[tilespmem:s12], [sflag:$0x1] =	stream.indirect.gather [hbm4b:s5+s8], $0x40, s11, s8, $0xb8;
	[tilespmem:$0x12C00] =	vst v63  }
0x67: {  	s23 =	simm.s32 $0x0  }
0x68: {  	[tilespmem:s15], [sflag:$0x1] =	stream.indirect.gather [hbm4b:s5+s13], $0x40, s14, s13, $0xb8;
	[tilespmem:$0x12C00] =	vst v63  }
.LBB2_4:
0x69: {  	s24 =	sshllo.u32 s23, $0x1  }
0x6a: {  	s25 =	smul.u32 $0x320, s24;
	_ =	sdelay $0x1  }
0x6b: {  	s25 =	sshra.s32 s25, $0x2  }
0x6c: {  	s26 =	sadd.s32 $0x6400, s25  }
0x6d: {  	[tilespmem:s16], [sflag:$0x2] =	stream.indirect.gather [hbm4b:s5+s8], $0x40, s26, s8, $0xb8;
	[tilespmem:$0x12C00] =	vst v63  }
0x6e: {  	s25 =	sadd.s32 $0x6480, s25  }
0x6f: {  	[tilespmem:s17], [sflag:$0x2] =	stream.indirect.gather [hbm4b:s5+s13], $0x40, s25, s13, $0xb8;
	[tilespmem:$0x12C00] =	vst v63  }
0x70: {  	_ =	swait.ge [sflag:s18], $0x2000  }
0x71: {  	[sflag:s18] =	ssyncset.done $0x0  }
0x72: {  	[sflag:s18] =	ssyncadd.s32 $0xFFFFE000  }
0x73: {  	_ =	swait.ge [sflag:s18], $0x1200  }
0x74: {  	p0 =	seq.s32 s23, $0x0;
	[sflag:s18] =	ssyncset.done $0x0  }
0x75: {  	s25 =	simm.s32 @!p0 $0x3;
	[sflag:s18] =	ssyncadd.s32 $0xFFFFEE00  }
0x76: {  	_ =	swait.ge @!p0 [sflag:s25], $0x3200  }
0x77: {  	[sflag:s25] =	ssyncset.done @!p0 $0x0  }
0x78: {  	[sflag:s25] =	ssyncadd.s32 @!p0 $0xFFFFCE00;
	s25 =	simm.s32 $0xC880  }
0x79: {  	v8 =	vld [tilespmem:s25+$0x70]  }
0x7a: {  	v9 =	vld [tilespmem:s25+$0xFFFFFF90]  }
0x7b: {  	v10 =	vld [tilespmem:s25+$0xFFFFFFA0]  }
0x7c: {  	v11 =	vld [tilespmem:s25+$0xFFFFFFB0]  }
0x7d: {  	v12 =	vld [tilespmem:s25+$0xFFFFFFC0]  }
0x7e: {  	v13 =	vld [tilespmem:s25+$0xFFFFFFD0];
	v8 =	vmul.f32 $8.000000000e+00, v8  }
0x7f: {  	v14 =	vld [tilespmem:s25+$0xFFFFFFE0];
	v9 =	vmul.f32 $8.000000000e+00, v9  }
0x80: {  	v15 =	vld [tilespmem:s25+$0xFFFFFFF0];
	v10 =	vmul.f32 $8.000000000e+00, v10;
	[tilespmem:s25+$0x70] =	vst v8  }
0x81: {  	[tilespmem:s25+$0xFFFFFF90] =	vst v9;
	v8 =	vmul.f32 $8.000000000e+00, v11;
	v11 =	vld [tilespmem:s25+$0x0]  }
0x82: {  	[tilespmem:s25+$0xFFFFFFA0] =	vst v10;
	v9 =	vmul.f32 $8.000000000e+00, v12;
	v12 =	vld [tilespmem:s25+$0x10]  }
0x83: {  	v16 =	vld [tilespmem:s25+$0x20];
	v10 =	vmul.f32 $8.000000000e+00, v13;
	[tilespmem:s25+$0xFFFFFFB0] =	vst v8  }
0x84: {  	v13 =	vmul.f32 $8.000000000e+00, v14;
	[tilespmem:s25+$0xFFFFFFC0] =	vst v9;
	v8 =	vld [tilespmem:s25+$0x30]  }
0x85: {  	v14 =	vmul.f32 $8.000000000e+00, v15;
	[tilespmem:s25+$0xFFFFFFD0] =	vst v10;
	v9 =	vld [tilespmem:s25+$0x40]  }
0x86: {  	[tilespmem:s25+$0xFFFFFFE0] =	vst v13;
	v10 =	vld [tilespmem:s25+$0x50];
	v15 =	vmul.f32 $8.000000000e+00, v11  }
0x87: {  	[tilespmem:s25+$0xFFFFFFF0] =	vst v14;
	v11 =	vld [tilespmem:s25+$0x60];
	v13 =	vmul.f32 $8.000000000e+00, v12  }
0x88: {  	s28 =	simm.s32 $0x0;
	s29 =	simm.s32 $0xC980;
	s26 =	sshll.u32 s23, $0x1;
	v14 =	vmul.f32 $8.000000000e+00, v16;
	v12 =	vld [tilespmem:s25+$0xFFFFFF80];
	[tilespmem:s25+$0x0] =	vst v15  }
.LBB2_5:
0x89: {  	v15 =	vld [tilespmem:s29+$0x70];
	s28 =	sadd.s32 $0x4, s28;
	[tilespmem:s25+$0x10] =	vst v13;
	v8 =	vmul.f32 $8.000000000e+00, v8  }
0x8a: {  	v13 =	vld [tilespmem:s29+$0xFFFFFF90];
	p1 =	slt.u32 s28, $0xC4;
	[tilespmem:s25+$0x20] =	vst v14;
	v9 =	vmul.f32 $8.000000000e+00, v9  }
0x8b: {  	v14 =	vld [tilespmem:s29+$0xFFFFFFA0];
	[tilespmem:s25+$0x30] =	vst v8;
	v8 =	vmul.f32 $8.000000000e+00, v10  }
0x8c: {  	v10 =	vld [tilespmem:s29+$0xFFFFFFB0];
	[tilespmem:s25+$0x40] =	vst v9;
	v9 =	vmul.f32 $8.000000000e+00, v11  }
0x8d: {  	v11 =	vld [tilespmem:s29+$0xFFFFFFC0];
	v12 =	vmul.f32 $8.000000000e+00, v12;
	[tilespmem:s25+$0x50] =	vst v8  }
0x8e: {  	v8 =	vld [tilespmem:s29+$0xFFFFFFD0];
	v15 =	vmul.f32 $8.000000000e+00, v15;
	[tilespmem:s25+$0x60] =	vst v9  }
0x8f: {  	v9 =	vmul.f32 $8.000000000e+00, v13;
	v13 =	vld [tilespmem:s29+$0xFFFFFFE0];
	[tilespmem:s25+$0xFFFFFF80] =	vst v12;
	s25 =	smov.u32 s29  }
0x90: {  	v12 =	vmul.f32 $8.000000000e+00, v14;
	v14 =	vld [tilespmem:s29+$0xFFFFFFF0];
	[tilespmem:s29+$0x70] =	vst v15  }
0x91: {  	[tilespmem:s29+$0xFFFFFF90] =	vst v9;
	v9 =	vmul.f32 $8.000000000e+00, v10;
	v10 =	vld [tilespmem:s29+$0x0]  }
0x92: {  	[tilespmem:s29+$0xFFFFFFA0] =	vst v12;
	v11 =	vmul.f32 $8.000000000e+00, v11;
	v12 =	vld [tilespmem:s29+$0x10]  }
0x93: {  	[tilespmem:s29+$0xFFFFFFB0] =	vst v9;
	v9 =	vmul.f32 $8.000000000e+00, v8;
	v15 =	vld [tilespmem:s29+$0x20]  }
.Ltmp1:
0x94: {  	[tilespmem:s29+$0xFFFFFFC0] =	vst v11;
	v11 =	vmul.f32 $8.000000000e+00, v13;
	v8 =	vld [tilespmem:s29+$0x30];
	(pc) =	sbr.rel @p1 .LBB2_5-.Ltmp1, $4  }
0x95: {  	[tilespmem:s29+$0xFFFFFFD0] =	vst v9;
	v13 =	vmul.f32 $8.000000000e+00, v14;
	v9 =	vld [tilespmem:s29+$0x40]  }
0x96: {  	[tilespmem:s29+$0xFFFFFFE0] =	vst v11;
	v14 =	vmul.f32 $8.000000000e+00, v10;
	v10 =	vld [tilespmem:s29+$0x50]  }
0x97: {  	[tilespmem:s29+$0xFFFFFFF0] =	vst v13;
	v13 =	vmul.f32 $8.000000000e+00, v12;
	v11 =	vld [tilespmem:s29+$0x60]  }
0x98: {  	s29 =	sadd.s32 $0x100, s29;
	v12 =	vld [tilespmem:s25+$0xFFFFFF80];
	[tilespmem:s25+$0x0] =	vst v14;
	v14 =	vmul.f32 $8.000000000e+00, v15  }
0x99: {  	[tilespmem:s25+$0x10] =	vst v13;
	v8 =	vmul.f32 $8.000000000e+00, v8  }
0x9a: {  	s26 =	sadd.s32 s4, s26;
	[tilespmem:s25+$0x20] =	vst v14;
	v9 =	vmul.f32 $8.000000000e+00, v9  }
0x9b: {  	s26 =	smul.u32 $0x640, s26;
	[tilespmem:s25+$0x30] =	vst v8;
	v8 =	vmul.f32 $8.000000000e+00, v10  }
0x9c: {  	p1 =	seq.s32 s23, $0x3F;
	[tilespmem:s25+$0x40] =	vst v9;
	v9 =	vmul.f32 $8.000000000e+00, v11  }
0x9d: {  	s31 =	sadd.s32 s2, s26;
	s26 =	smul.u32 @!p1 $0x640, s23;
	v10 =	vmul.f32 $8.000000000e+00, v12;
	[tilespmem:s25+$0x50] =	vst v8  }
0x9e: {  	[tilespmem:s25+$0x60] =	vst v9  }
0x9f: {  	[tilespmem:s25+$0xFFFFFF80] =	vst v10;
	s25 =	sshra.s32 @!p1 s26, $0x2  }
0xa0: {  	[hbm4b:s31+s3] =	stream.linear.scatter [tilespmem:s12], [sflag:$0x3], $0x3200, $0x38;
	[tilespmem:$0x12C00] =	vst v63  }
0xa1: {  	s28 =	simm.s32 @!p1 $0x80;
	s29 =	simm.s32 @!p1 $0xC800;
	s26 =	sadd.s32 @!p1 $0x6590, s25  }
0xa2: {  	[tilespmem:s29], [sflag:$0x1] =	stream.indirect.gather @!p1 [hbm4b:s5+s28], $0x40, s26, s28, $0xb8;
	[tilespmem:$0x12C00] =	vst v63  }
0xa3: {  	s25 =	sadd.s32 @!p1 $0x6610, s25;
	s26 =	simm.s32 @!p1 $0x48;
	s28 =	simm.s32 @!p1 $0xE800  }
0xa4: {  	[tilespmem:s28], [sflag:$0x1] =	stream.indirect.gather @!p1 [hbm4b:s5+s26], $0x40, s25, s26, $0xb8;
	[tilespmem:$0x12C00] =	vst v63  }
0xa5: {  	_ =	swait.ge [sflag:s19], $0x2000  }
0xa6: {  	[sflag:s19] =	ssyncset.done $0x0  }
0xa7: {  	[sflag:s19] =	ssyncadd.s32 $0xFFFFE000  }
0xa8: {  	_ =	swait.ge [sflag:s19], $0x1200  }
0xa9: {  	[sflag:s19] =	ssyncset.done $0x0  }
0xaa: {  	s25 =	simm.s32 @!p0 $0x4;
	[sflag:s19] =	ssyncadd.s32 $0xFFFFEE00  }
0xab: {  	_ =	swait.ge @!p0 [sflag:s25], $0x3200  }
0xac: {  	[sflag:s25] =	ssyncset.done @!p0 $0x0  }
0xad: {  	[sflag:s25] =	ssyncadd.s32 @!p0 $0xFFFFCE00;
	s25 =	simm.s32 $0xFA80  }
0xae: {  	v8 =	vld [tilespmem:s25+$0x70]  }
0xaf: {  	v9 =	vld [tilespmem:s25+$0xFFFFFF90]  }
0xb0: {  	v10 =	vld [tilespmem:s25+$0xFFFFFFA0]  }
0xb1: {  	v11 =	vld [tilespmem:s25+$0xFFFFFFB0]  }
0xb2: {  	v12 =	vld [tilespmem:s25+$0xFFFFFFC0]  }
0xb3: {  	v13 =	vld [tilespmem:s25+$0xFFFFFFD0];
	v8 =	vmul.f32 $8.000000000e+00, v8  }
0xb4: {  	v14 =	vld [tilespmem:s25+$0xFFFFFFE0];
	v9 =	vmul.f32 $8.000000000e+00, v9  }
0xb5: {  	v15 =	vld [tilespmem:s25+$0xFFFFFFF0];
	v10 =	vmul.f32 $8.000000000e+00, v10;
	[tilespmem:s25+$0x70] =	vst v8  }
0xb6: {  	[tilespmem:s25+$0xFFFFFF90] =	vst v9;
	v8 =	vmul.f32 $8.000000000e+00, v11;
	v11 =	vld [tilespmem:s25+$0x0]  }
0xb7: {  	[tilespmem:s25+$0xFFFFFFA0] =	vst v10;
	v9 =	vmul.f32 $8.000000000e+00, v12;
	v12 =	vld [tilespmem:s25+$0x10]  }
0xb8: {  	v16 =	vld [tilespmem:s25+$0x20];
	v10 =	vmul.f32 $8.000000000e+00, v13;
	[tilespmem:s25+$0xFFFFFFB0] =	vst v8  }
0xb9: {  	v13 =	vmul.f32 $8.000000000e+00, v14;
	[tilespmem:s25+$0xFFFFFFC0] =	vst v9;
	v8 =	vld [tilespmem:s25+$0x30]  }
0xba: {  	v14 =	vmul.f32 $8.000000000e+00, v15;
	[tilespmem:s25+$0xFFFFFFD0] =	vst v10;
	v9 =	vld [tilespmem:s25+$0x40]  }
0xbb: {  	[tilespmem:s25+$0xFFFFFFE0] =	vst v13;
	v10 =	vld [tilespmem:s25+$0x50];
	v15 =	vmul.f32 $8.000000000e+00, v11  }
0xbc: {  	[tilespmem:s25+$0xFFFFFFF0] =	vst v14;
	v11 =	vld [tilespmem:s25+$0x60];
	v13 =	vmul.f32 $8.000000000e+00, v12  }
0xbd: {  	s26 =	simm.s32 $0x0;
	s28 =	simm.s32 $0xFB80;
	v14 =	vmul.f32 $8.000000000e+00, v16;
	v12 =	vld [tilespmem:s25+$0xFFFFFF80];
	[tilespmem:s25+$0x0] =	vst v15  }
.LBB2_7:
0xbe: {  	v15 =	vld [tilespmem:s28+$0x70];
	s26 =	sadd.s32 $0x4, s26;
	[tilespmem:s25+$0x10] =	vst v13;
	v8 =	vmul.f32 $8.000000000e+00, v8  }
0xbf: {  	v13 =	vld [tilespmem:s28+$0xFFFFFF90];
	p0 =	slt.u32 s26, $0xC4;
	[tilespmem:s25+$0x20] =	vst v14;
	v9 =	vmul.f32 $8.000000000e+00, v9  }
0xc0: {  	v14 =	vld [tilespmem:s28+$0xFFFFFFA0];
	[tilespmem:s25+$0x30] =	vst v8;
	v8 =	vmul.f32 $8.000000000e+00, v10  }
0xc1: {  	v10 =	vld [tilespmem:s28+$0xFFFFFFB0];
	[tilespmem:s25+$0x40] =	vst v9;
	v9 =	vmul.f32 $8.000000000e+00, v11  }
0xc2: {  	v11 =	vld [tilespmem:s28+$0xFFFFFFC0];
	v12 =	vmul.f32 $8.000000000e+00, v12;
	[tilespmem:s25+$0x50] =	vst v8  }
0xc3: {  	v8 =	vld [tilespmem:s28+$0xFFFFFFD0];
	v15 =	vmul.f32 $8.000000000e+00, v15;
	[tilespmem:s25+$0x60] =	vst v9  }
0xc4: {  	v9 =	vmul.f32 $8.000000000e+00, v13;
	v13 =	vld [tilespmem:s28+$0xFFFFFFE0];
	[tilespmem:s25+$0xFFFFFF80] =	vst v12;
	s25 =	smov.u32 s28  }
0xc5: {  	v12 =	vmul.f32 $8.000000000e+00, v14;
	v14 =	vld [tilespmem:s28+$0xFFFFFFF0];
	[tilespmem:s28+$0x70] =	vst v15  }
0xc6: {  	[tilespmem:s28+$0xFFFFFF90] =	vst v9;
	v9 =	vmul.f32 $8.000000000e+00, v10;
	v10 =	vld [tilespmem:s28+$0x0]  }
0xc7: {  	[tilespmem:s28+$0xFFFFFFA0] =	vst v12;
	v11 =	vmul.f32 $8.000000000e+00, v11;
	v12 =	vld [tilespmem:s28+$0x10]  }
0xc8: {  	[tilespmem:s28+$0xFFFFFFB0] =	vst v9;
	v9 =	vmul.f32 $8.000000000e+00, v8;
	v15 =	vld [tilespmem:s28+$0x20]  }
.Ltmp2:
0xc9: {  	[tilespmem:s28+$0xFFFFFFC0] =	vst v11;
	v11 =	vmul.f32 $8.000000000e+00, v13;
	v8 =	vld [tilespmem:s28+$0x30];
	(pc) =	sbr.rel @p0 .LBB2_7-.Ltmp2, $4  }
0xca: {  	[tilespmem:s28+$0xFFFFFFD0] =	vst v9;
	v13 =	vmul.f32 $8.000000000e+00, v14;
	v9 =	vld [tilespmem:s28+$0x40]  }
0xcb: {  	[tilespmem:s28+$0xFFFFFFE0] =	vst v11;
	v14 =	vmul.f32 $8.000000000e+00, v10;
	v10 =	vld [tilespmem:s28+$0x50]  }
0xcc: {  	[tilespmem:s28+$0xFFFFFFF0] =	vst v13;
	v13 =	vmul.f32 $8.000000000e+00, v12;
	v11 =	vld [tilespmem:s28+$0x60]  }
0xcd: {  	s28 =	sadd.s32 $0x100, s28;
	v12 =	vld [tilespmem:s25+$0xFFFFFF80];
	[tilespmem:s25+$0x0] =	vst v14;
	v14 =	vmul.f32 $8.000000000e+00, v15  }
0xce: {  	[tilespmem:s25+$0x10] =	vst v13;
	v8 =	vmul.f32 $8.000000000e+00, v8  }
0xcf: {  	s23 =	sadd.s32 $0x1, s23;
	[tilespmem:s25+$0x20] =	vst v14;
	v9 =	vmul.f32 $8.000000000e+00, v9  }
0xd0: {  	p0 =	sne.s32 s23, $0x40;
	[tilespmem:s25+$0x30] =	vst v8;
	v8 =	vmul.f32 $8.000000000e+00, v10  }
.Ltmp3:
0xd1: {  	s24 =	sadd.s32 s4, s24;
	[tilespmem:s25+$0x40] =	vst v9;
	v62 =	vmul.f32 $8.000000000e+00, v11;
	(pc) =	sbr.rel @p0 .LBB2_4-.Ltmp3, $4  }
0xd2: {  	s24 =	smul.u32 $0x640, s24;
	v63 =	vmul.f32 $8.000000000e+00, v12;
	[tilespmem:s25+$0x50] =	vst v8  }
0xd3: {  	[tilespmem:s25+$0x60] =	vst v62  }
0xd4: {  	s24 =	sadd.s32 s2, s24;
	[tilespmem:s25+$0xFFFFFF80] =	vst v63  }
0xd5: {  	[hbm4b:s24+s3] =	stream.linear.scatter [tilespmem:s16], [sflag:$0x4], $0x3200, $0x38;
	[tilespmem:$0x12C00] =	vst v63  }
0xd6: {  	s22 =	sadd.s32 $0x1, s22  }
0xd7: {  	_ =	swait.ge [sflag:s20], $0x3200;
	p0 =	sne.s32 s22, s7  }
.Ltmp4:
0xd8: {  	[sflag:s20] =	ssyncset.done $0x0;
	(pc) =	sbr.rel @p0 .LBB2_1-.Ltmp4, $4  }
0xd9: {  	[sflag:s20] =	ssyncadd.s32 $0xFFFFCE00  }
0xda: {  	_ =	swait.ge [sflag:s21], $0x3200  }
0xdb: {  	[sflag:s21] =	ssyncset.done $0x0  }
0xdc: {  	[sflag:s21] =	ssyncadd.s32 $0xFFFFCE00  }
0xdd: {  	_ =	sfence.sel $0x180000  }
0xde: {  	[bflag:$0x0] =	sbarrier.arrive $0xFFFF  }
0xdf: {  	p0 =	sne.s32 s1, $0x0;
	_ =	strace $0x90000047  }
0xe0: {  	s0 =	sadd.s32 @!p0 $0x100000, s0;
	[bflag:$0x2] =	sbarrier.arrive $0xFFFF  }
0xe1: {  	[sflag:s0] =	ssyncadd.tile.s32 @!p0 $0x1;
	_ =	shalt  }
.Lfunc_end2:
_tile_overlayer_lowered:
.L_overlay_start_2:
0xe2: {  	(tag) =	ssettag $0x2  }
0xe3: {  	s0 =	rddreg [dreg:$0x0];
	s2 =	stileid.u32  }
0xe4: {  	s1 =	rddreg [dreg:$0x1];
	p0 =	sne.s32 s2, $0x0  }
0xe5: {  	s3 =	rddreg [dreg:$0x2];
	[bflag:$0x3] =	sbarrier.arrive $0xFFFF;
	s2 =	simm.s32 @!p0 $0x1C05  }
0xe6: {  	[timem:s3], [sflag:s2] =	dma.local @!p0 [hbm:s0], s1  }
0xe7: {  	s0 =	simm.s32 @!p0 $0x5  }
0xe8: {  	_ =	swait.ge @!p0 [sflag:s0], s1  }
0xe9: {  	s1 =	ssub.s32 @!p0 $0x0, s1;
	[sflag:s0] =	ssyncset.done @!p0 $0x0  }
0xea: {  	[sflag:s0] =	ssyncadd.s32 @!p0 s1  }
0xeb: {  	[bflag:$0x3] =	sbarrier.arrive $0xFFFF  }
0xec: {  	_ =	shalt  }

// kernel: sparse-core-data-format-call.cloned.1.call-start
scs
called_computation_lowered:
.L_overlay_start_0:
0x0: {  	s2 =	sld [smem:$0x3FD9]  }
0x1: {  	s3 =	sld [smem:$0x3FFE];
	_ =	sdelay $0x1  }
0x2: {  	s1 =	srdreg.scid  }
0x3: {  	s0 =	sand.u32 $0x1, s1  }
0x4: {  	s18 =	sshll.u32 s0, $0xA;
	s2 =	sadd.s32 s3, s2  }
0x5: {  	s2 =	sadd.s32 s2, s18  }
0x6: {  	[smem:$0x3FC6] =	sst s2  }
0x7: {  	_ = 	snop  }
0x8: {  	s2 =	sld [smem:$0x3FD0];
	(tm) =	ssettm $0x1  }
0x9: {  	s19 =	sld [smem:$0x3FFB];
	_ =	sdelay $0x3  }
0xa: {  	_ =	strace s19  }
0xb: {  	s3 =	sld [smem:$0x3FFC];
	_ =	sdelay $0x3  }
0xc: {  	_ =	strace s3  }
0xd: {  	s3 =	sld [smem:$0x3FFD];
	_ =	sdelay $0x3  }
0xe: {  	_ =	strace s3  }
0xf: {  	_ =	strace $0x8FFFFFFF  }
0x10: {  	s20 =	sld [smem:$0x3FDB];
	_ =	sdelay $0x1  }
0x11: {  	s4 =	simm.s32 $_scs_section_size  }
0x12: {  	s5 =	simm.s32 $_size__tile_overlayer_lowered;
	s6 =	simm.s32 $_tile_overlayer_lowered  }
0x13: {  	s23 =	simm.s32 $0x1BFF;
	s22 =	sshll.u32 s6, $0x1;
	s3 =	sadd.s32 s4, s20  }
0x14: {  	s7 =	simm.s32 $0x0;
	s21 =	sshll.u32 s5, $0x1;
	s5 =	sadd.s32 s22, s3  }
0x15: {  	[timem:s7], [sflag:s23] =	dma.local [hbm:s5], s21  }
0x16: {  	_ =	swait.ge [sflag:s23], s21  }
0x17: {  	s4 =	ssub.s32 $0x0, s21;
	[sflag:s23] =	ssyncset.done $0x0  }
0x18: {  	[sflag:s23] =	ssyncadd.s32 s4;
	_ =	sdelay $0x1  }
0x19: {  	s24 =	simm.s32 $0x1B8B  }
0x1a: {  	_ =	swait.ge [sflag:s24], $0x1  }
0x1b: {  	[sflag:s24] =	ssyncset.done $0x0  }
0x1c: {  	s26 =	simm.s32 $0x1B8E;
	s25 =	sld [smem:$0x3FFE];
	[sflag:s24] =	ssyncadd.s32 $0xFFFFFFFF  }
0x1d: {  	s27 =	simm.s32 $execute0_lowered;
	[smem:$0x3FD2] =	sst s26  }
0x1e: {  	s5 =	sshll.u32 s27, $0x1;
	_ =	strace $0x80000049;
	[dreg:$0x1] =	wrdreg $0xFFFFFFFF  }
0x1f: {  	s28 =	simm.s32 $_size_execute0_lowered;
	s3 =	sadd.s32 s3, s5;
	[dreg:$0x0] =	wrdreg $0x0  }
0x20: {  	s5 =	sshll.u32 s28, $0x1;
	[dreg:$0x2] =	wrdreg s3  }
0x21: {  	[dreg:$0x3] =	wrdreg s5  }
0x22: {  	[dreg:$0x4] =	wrdreg $0xC0  }
0x23: {  	_ =	task [dreg:s7], $0x5FFFF  }
0x24: {  	[dreg:$0x1] =	wrdreg $0xFFFFFFFF  }
0x25: {  	[dreg:$0x0] =	wrdreg $0x60  }
0x26: {  	[dreg:$0x2] =	wrdreg s25  }
0x27: {  	[dreg:$0x3] =	wrdreg s2  }
0x28: {  	[dreg:$0x4] =	wrdreg $0x9  }
0x29: {  	_ =	task.clear_ibuf [dreg:s7], $0x5FFFF;
	_ =	strace $0x90000049  }
0x2a: {  	s29 =	simm.s32 $0x9;
	_ =	strace $0x8000004B  }
0x2b: {  	_ =	swait.ge [sflag:s29], $0x1  }
0x2c: {  	[sflag:s29] =	ssyncadd.s32 $0xFFFFFFFF  }
0x2d: {  	_ =	strace $0x9000004B  }
0x2e: {  	_ =	sfence  }
0x2f: {  	s30 =	sld [smem:$0x0];
	_ =	sdelay $0x2  }
0x30: {  	s31 =	sshll.u32 s1, $0xD;
	s1 =	sshrl.u32 s1, $0x2  }
0x31: {  	s3 =	sand.u32 $0x4000, s31;
	s1 =	sadd.s32 s1, s30  }
0x32: {  	s0 =	sor.u32 s3, s0;
	s1 =	sshll.u32 s1, $0x11  }
0x33: {  	s0 =	sor.u32 s1, s0  }
0x34: {  	s0 =	sadd.s32 $0x8F2B, s0  }
0x35: {  	[sflag:s0] =	ssyncadd.remote.s32 $0x1  }
0x36: {  	_ =	sfence.sel $0xFFFF  }
0x37: {  	[dreg:$0x0] =	wrdreg $0xFFFFFFFF;
	(pc) =	sbr.abs _section_cstart, $3  }
0x38: {  	[dreg:$0x1] =	wrdreg $0xFFFFFFFF  }
0x39: {  	_ =	task.clear_ibuf [dreg:s7], $0x2FFFF;
	_ =	strace $0x9FFFFFFF  }
0x3a: {  	(tm) =	ssettm $0x7FFFFFFF  }
0x3b: {  	_ =	shalt  }
tec
execute0_lowered:
.L_overlay_start_1:
0x0: {  	(tag) =	ssettag $0x1  }
0x1: {  	s0 =	srdreg.scid  }
0x2: {  	s1 =	sshll.u32 s0, $0x4  }
0x3: {  	s0 =	stileid.u32;
	s1 =	sand.u32 $0x10, s1  }
0x4: {  	s1 =	sor.u32 s0, s1  }
0x5: {  	s6 =	rddreg [dreg:$0x0];
	s4 =	simm.s32 $0x1;
	s2 =	sshll.u32 s1, $0x7  }
0x6: {  	s7 =	simm.s32 $0x2;
	s12 =	simm.s32 $0x0;
	s1 =	ssub.s32 $0x1000, s2  }
0x7: {  	s8 =	simm.s32 $0x8000;
	s13 =	simm.s32 $0x0;
	s3 =	sand.u32 $0xF80, s1  }
0x8: {  	s9 =	simm.s32 $0x0;
	s5 =	sshrl.u32 s1, $0xC;
	p0 =	sne.s32 s3, $0x0  }
.Ltmp0:
0x9: {  	s1 =	rddreg [dreg:$0x2];
	s4 =	simm.s32 @!p0 $0x0;
	(pc) =	sbr.rel .LBB1_1-.Ltmp0, $4  }
0xa: {  	s11 =	simm.s32 $0x0;
	s3 =	rddreg [dreg:$0x1];
	s5 =	sadd.s32 s4, s5  }
0xb: {  	_ =	strace $0x8000004A;
	s4 =	simm.s32 $0x1;
	s5 =	smul.u32 $0xC8, s5  }
0xc: {  	s6 =	sadd.s32 $0xA00, s6;
	s10 =	smov.u32 s2;
	[sflag:s4] =	ssyncpa.u1 $0x0  }
0xd: {  	p0 =	por $0x0, $0x0;
	[sflag:s7] =	ssyncpa.u1 $0x0;
	s7 =	sor.u32 $0x1, s5  }
.LBB1_4:
0xe: {  	s16 =	sshll.u32 s13, $0x3;
	s17 =	sand.u32 $0x78, s13  }
0xf: {  	s30 =	sand.u32 $0x7E00, s13;
	s12 =	sshll.u32 s12, $0xF;
	s16 =	sand.u32 $0xC00, s16  }
0x10: {  	[tilespmem:s15+$0x810 ss:$0x81] =	vst.msk $0xffff, v2;
	s31 =	sand.u32 $0x7, s13;
	s16 =	sor.u32 s17, s16;
	s17 =	sadd.s32 s3, s30  }
0x11: {  	[tilespmem:s15+$0x1020 ss:$0x81] =	vst.msk $0xffff, v0;
	s13 =	sshll.u32 s31, $0x12;
	s12 =	sadd.s32 s12, s17;
	s16 =	sshrl.u32 s16, $0x3  }
0x12: {  	[tilespmem:s15+$0x0 ss:$0x81] =	vst.msk $0xffff, v1;
	s13 =	sor.u32 $0x400, s13;
	s12 =	sadd.s32 s16, s12  }
0x13: {  	[hbm4b:s12+s13] =	stream.strided.scatter [tilespmem:s14], [sflag:$0x2], $0x2000, s8, s13, $0x20;
	[tilespmem:$0x8080] =	vst v63  }
.LBB1_5:
0x14: {  	s14 =	sadd.s32 $0x1, s9  }
0x15: {  	s12 =	sadd.s32 $0x1000, s10;
	s16 =	smov.u32 s10;
	p2 =	sgt.s32 s14, $0xC7  }
0x16: {  	s16 =	smov.u32 @p2 s12  }
0x17: {  	s14 =	simm.s32 @p2 $0x0;
	p2 =	sgt.s32 s16, $0xFFF  }
0x18: {  	s16 =	smov.u32 @p2 s2;
	p2 =	sne.s32 s11, s7  }
.Ltmp1:
0x19: {  	p1 =	slt.u32 s11, $0x2;
	(pc) =	sbr.rel @!p2 .LBB1_6-.Ltmp1, $4  }
0x1a: {  	s15 =	simm.s32 @!p1 $0x2  }
0x1b: {  	s13 =	smov.u32 s10;
	p0 =	por !p0, !p0;
	_ =	swait.ge @!p1 [sflag:s15], $0x2000  }
0x1c: {  	s12 =	smov.u32 s9;
	[sflag:s15] =	ssyncset.done @!p1 $0x0;
	s9 =	smov.u32 s14  }
0x1d: {  	s11 =	sadd.s32 $0x1, s11;
	[sflag:s15] =	ssyncadd.s32 @!p1 $0xFFFFE000;
	s10 =	smov.u32 s16  }
.LBB1_1:
0x1e: {  	p1 =	sge.u32 s11, s5  }
0x1f: {  	s14 =	sand.u32 @!p1 $0x1FFFFFF, s9  }
0x20: {  	s15 =	smulhi.u32 @!p1 $0x147AE15, s14;
	_ =	sdelay $0x1  }
0x21: {  	s15 =	smul.u32 @!p1 $0xC8, s15  }
0x22: {  	s16 =	sxor.u32 @!p1 $0xFFFFFFFF, s11;
	s17 =	smul.u32 @!p1 $0xC80, s10  }
0x23: {  	s31 =	sadd.s32 $0xFFFFFFFF, s11;
	s16 =	sshll.u32 @!p1 s16, $0xD;
	s14 =	ssub.s32 @!p1 s14, s15  }
0x24: {  	s15 =	sand.u32 @!p1 $0x2000, s16;
	s16 =	sadd.s32 @!p1 s6, s17;
	s14 =	sshll.u32 @!p1 s14, $0x4  }
0x25: {  	s17 =	simm.s32 @!p1 $0x6400;
	s14 =	sadd.s32 @!p1 s14, s16;
	s16 =	simm.s32 @!p1 $0x40  }
0x26: {  	[tilespmem:s15], [sflag:$0x1] =	stream.strided.gather @!p1 [hbm4b:s14+s16], $0x2000, s17, s16, $0x38;
	[tilespmem:$0x8080] =	vst v63  }
0x27: {  	p1 =	sge.u32 s31, s5  }
.Ltmp2:
0x28: {  	_ = 	snop;
	(pc) =	sbr.rel @p1 .LBB1_5-.Ltmp2, $1  }
0x29: {  	_ =	sdelay $0x3  }
0x2a: {  	s14 =	simm.s32 $0x1  }
0x2b: {  	_ =	swait.ge [sflag:s4], $0x2000;
	s14 =	simm.s32 @!p0 $0x0  }
0x2c: {  	[sflag:s4] =	ssyncset.done $0x0;
	s15 =	sshll.u32 s14, $0xD  }
0x2d: {  	[sflag:s4] =	ssyncadd.s32 $0xFFFFE000;
	s18 =	sor.u32 $0x20, s15  }
0x2e: {  	s14 =	smul.u32 $0x8100, s14;
	v3 =	vld [tilespmem:s18+$0x10]  }
0x2f: {  	s30 =	sand.u32 $0x1, s11;
	v2 =	vld [tilespmem:s18+$0xFFFFFFF0]  }
0x30: {  	s15 =	smul.u32 $0x8100, s30;
	s14 =	sshrl.u32 s14, $0x2;
	v0 =	vld [tilespmem:s18+$0x0]  }
0x31: {  	v1 =	vld [tilespmem:s18+$0xFFFFFFE0];
	s16 =	sor.u32 $0x4000, s14  }
0x32: {  	s31 =	sshrl.u32 s15, $0x2;
	s15 =	sadd.s32 $0x0, s16  }
0x33: {  	s17 =	simm.s32 $0x4;
	s18 =	sadd.s32 $0x40, s18;
	s14 =	sor.u32 $0x4000, s31;
	[tilespmem:s15+$0x1830 ss:$0x81] =	vst.msk $0xffff, v3  }
.LBB1_3:
0x34: {  	v3 =	vld [tilespmem:s18+$0x10];
	p1 =	sne.s32 s17, $0x1FC;
	[tilespmem:s15+$0x810 ss:$0x81] =	vst.msk $0xffff, v2;
	s19 =	smov.u32 s17;
	s17 =	sadd.s32 $0x4, s17  }
.Ltmp3:
0x35: {  	v2 =	vld [tilespmem:s18+$0xFFFFFFF0];
	[tilespmem:s15+$0x1020 ss:$0x81] =	vst.msk $0xffff, v0;
	(pc) =	sbr.rel @p1 .LBB1_3-.Ltmp3, $4  }
0x36: {  	v0 =	vld [tilespmem:s18+$0x0];
	[tilespmem:s15+$0x0 ss:$0x81] =	vst.msk $0xffff, v1  }
0x37: {  	s15 =	sshra.s32 s19, $0x2;
	v1 =	vld [tilespmem:s18+$0xFFFFFFE0]  }
0x38: {  	s15 =	sadd.s32 s15, s16  }
0x39: {  	s18 =	sadd.s32 $0x40, s18;
	[tilespmem:s15+$0x1830 ss:$0x81] =	vst.msk $0xffff, v3  }
.Ltmp4:
0x3a: {  	_ = 	snop;
	(pc) =	sbr.rel .LBB1_4-.Ltmp4, $1  }
0x3b: {  	_ =	sdelay $0x3  }
.LBB1_6:
0x3c: {  	_ =	sfence.sel $0x180000  }
0x3d: {  	s2 =	simm.s32 $0x1;
	[bflag:$0x0] =	sbarrier.arrive $0xFFFF  }
0x3e: {  	s31 =	simm.s32 $0x2;
	[sflag:s2] =	ssyncpa.u1 $0x1  }
0x3f: {  	[sflag:s31] =	ssyncpa.u1 $0x1  }
0x40: {  	p0 =	sne.s32 s0, $0x0;
	_ =	strace $0x9000004A  }
0x41: {  	s0 =	sadd.s32 @!p0 $0x100000, s1;
	[bflag:$0x2] =	sbarrier.arrive $0xFFFF  }
0x42: {  	[sflag:s0] =	ssyncadd.tile.s32 @!p0 $0x1;
	_ =	shalt  }
.Lfunc_end1:
_tile_overlayer_lowered:
.L_overlay_start_2:
0x43: {  	(tag) =	ssettag $0x2  }
0x44: {  	s0 =	rddreg [dreg:$0x0];
	s2 =	stileid.u32  }
0x45: {  	s1 =	rddreg [dreg:$0x1];
	p0 =	sne.s32 s2, $0x0  }
0x46: {  	s3 =	rddreg [dreg:$0x2];
	[bflag:$0x3] =	sbarrier.arrive $0xFFFF;
	s2 =	simm.s32 @!p0 $0x1C01  }
0x47: {  	[timem:s3], [sflag:s2] =	dma.local @!p0 [hbm:s0], s1  }
0x48: {  	s0 =	simm.s32 @!p0 $0x1  }
0x49: {  	_ =	swait.ge @!p0 [sflag:s0], s1  }
0x4a: {  	s1 =	ssub.s32 @!p0 $0x0, s1;
	[sflag:s0] =	ssyncset.done @!p0 $0x0  }
0x4b: {  	[sflag:s0] =	ssyncadd.s32 @!p0 s1  }
0x4c: {  	[bflag:$0x3] =	sbarrier.arrive $0xFFFF  }
0x4d: {  	_ =	shalt  }

</sc_bundles>
